<compile_context>
chip_gen: v7x
topology: tpu7x:2x2x1
jax: 0.10.2.dev20260603
libtpu: 0.0.44.dev20260713+nightly
codegen_flags: <defaults>
</compile_context>

<pallas_src>
import jax
import jax.numpy as jnp
from jax import lax
from jax.experimental import pallas as pl
from jax.experimental.pallas import tpu as pltpu
from jax.experimental.pallas import tpu_sc as plsc

A = 8192
DIM = 256
N = 65536

BN = 256
BA = 512
T = A // BA
LW = 128
NC = BA // LW


WREAL = 2736
NWIN = 3
TW = 6
WPAD = TW * BA
APAD = NWIN * WPAD


def _argmin_body(e2_ref, en2_ref, cb_ref, cn2_ref, idx_ref):
    e2 = e2_ref[...]
    en2 = en2_ref[...]

    def window_argmin(h):
        best = [jnp.full((BN, LW), jnp.inf, dtype=jnp.float32)
                for _ in range(NC)]
        code = [jnp.zeros((BN, LW), dtype=jnp.int32) for _ in range(NC)]
        for ti in range(TW):
            t = h * TW + ti
            c_tile = cb_ref[t * BA:(t + 1) * BA, :]
            mm2 = lax.dot_general(
                e2, c_tile,
                (((1,), (1,)), ((), ())),
                preferred_element_type=jnp.float32,
            )
            for c in range(NC):
                cn2_t = cn2_ref[:, t * BA + c * LW: t * BA + (c + 1) * LW]
                dc = (en2 + mm2[:, c * LW:(c + 1) * LW]) + cn2_t
                upd = dc < best[c]
                best[c] = jnp.where(upd, dc, best[c])
                code[c] = jnp.where(upd, ti * NC + c, code[c])

        lane = lax.broadcasted_iota(jnp.int32, (BN, LW), 1)
        v, g = best[0], code[0] * LW + lane
        for c in range(1, NC):
            vc, gc = best[c], code[c] * LW + lane
            take = (vc < v) | ((vc == v) & (gc < g))
            v = jnp.where(take, vc, v)
            g = jnp.where(take, gc, g)
        tmin = jnp.min(v, axis=1, keepdims=True)
        fidx = jnp.min(jnp.where(v <= tmin, g, jnp.int32(APAD)),
                       axis=1, keepdims=True)
        return tmin, fidx + h * WREAL

    acc, idx = window_argmin(0)
    acc = acc.astype(jnp.bfloat16)
    for h in range(1, NWIN):
        m, g = window_argmin(h)
        accf = acc.astype(jnp.float32)
        use = m < accf
        idx = jnp.where(use, g, idx)
        acc = jnp.where(use, m, accf).astype(jnp.bfloat16)
    idx_ref[...] = idx


_argmin_call = pl.pallas_call(
    _argmin_body,
    grid=(N // BN,),
    in_specs=[
        pl.BlockSpec((BN, DIM), lambda i: (i, 0)),
        pl.BlockSpec((BN, 1), lambda i: (i, 0)),
        pl.BlockSpec((APAD, DIM), lambda i: (0, 0)),
        pl.BlockSpec((1, APAD), lambda i: (0, 0)),
    ],
    out_specs=pl.BlockSpec((BN, 1), lambda i: (i, 0)),
    out_shape=jax.ShapeDtypeStruct((N, 1), jnp.int32),
    compiler_params=pltpu.CompilerParams(
        dimension_semantics=("arbitrary",),
    ),
)


_SC_INFO = plsc.get_sparse_core_info()
_NW = _SC_INFO.num_cores * _SC_INFO.num_subcores
_BPW = N // _NW
_CH = 128
_NCH = _BPW // _CH


def _gather_body(cb_hbm, idx_hbm, out_hbm, idx_v, rows_v, sem):
    wid = lax.axis_index("s") * _SC_INFO.num_cores + lax.axis_index("c")
    base = wid * _BPW

    def chunk(k, _):
        off = base + k * _CH
        pltpu.sync_copy(idx_hbm.at[pl.ds(off, _CH)], idx_v)
        pltpu.async_copy(cb_hbm.at[idx_v], rows_v, sem).wait()
        pltpu.sync_copy(rows_v, out_hbm.at[pl.ds(off, _CH)])
        return 0

    lax.fori_loop(0, _NCH, chunk, 0)


_gather_call = pl.kernel(
    _gather_body,
    out_type=jax.ShapeDtypeStruct((N, DIM), jnp.float32),
    mesh=plsc.VectorSubcoreMesh(core_axis_name="c", subcore_axis_name="s"),
    scratch_types=[
        pltpu.VMEM((_CH,), jnp.int32),
        pltpu.VMEM((_CH, DIM), jnp.float32),
        pltpu.SemaphoreType.DMA,
    ],
)


def kernel(e, codebook):
    en2 = jnp.sum(e * e, axis=1, keepdims=True)
    cn2 = jnp.sum(codebook * codebook, axis=1)
    e2b = (e * -2.0).astype(jnp.bfloat16)
    cbb = codebook.astype(jnp.bfloat16)
    cbp = jnp.zeros((APAD, DIM), jnp.bfloat16)
    cn2p = jnp.full((1, APAD), jnp.inf, jnp.float32)
    for w in range(NWIN):
        lo = w * WREAL
        hi = min(lo + WREAL, A)
        cbp = cbp.at[w * WPAD:w * WPAD + (hi - lo)].set(cbb[lo:hi])
        cn2p = cn2p.at[:, w * WPAD:w * WPAD + (hi - lo)].set(cn2[None, lo:hi])
    idx = _argmin_call(e2b, en2, cbp, cn2p).reshape(N)
    q = _gather_call(codebook, idx)
    return (idx, q)

# --- scband reference (transcript-rebuilt; emitter-appended) ---
"""Pipeline reference for scband-action-vq-40664750359098 (READ-ONLY COPY).

The authoritative reference and input builder live on the scoring server;
editing this copy changes nothing except your own understanding.
"""

import jax, jax.numpy as jnp
import numpy as np

A = 8192
DIM = 256
N = 65536

def setup_inputs(seed: int = 0) -> dict:
    key = jax.random.key(seed)
    k1, k2 = jax.random.split(key)
    e = jax.random.normal(k1, (N, DIM), dtype=jnp.float32)
    codebook = jax.random.normal(k2, (A, DIM), dtype=jnp.float32) * 0.02
    return {"e": e, "codebook": codebook}

def reference(e, codebook):
    # d2[i, j] = ||e_i||^2 - 2 e_i . c_j + ||c_j||^2  (squared L2 distance)
    d2 = (jnp.sum(e * e, axis=1, keepdims=True)
          - 2.0 * (e @ codebook.T)
          + jnp.sum(codebook * codebook, axis=1)[None, :])
    idx = jnp.argmin(d2, axis=1)
    q = jnp.take(codebook, idx, axis=0)  # embedding lookup: codebook(idx)
    return (idx, q)

if __name__ == "__main__":
    import jax
    _d = setup_inputs()
    print(jax.jit(kernel)(*tuple(_d.values())))

</pallas_src>

<mosaic_0001>
#map = affine_map<(d0, d1) -> (0, 0)>
#map1 = affine_map<(d0, d1) -> (0)>
module attributes {stable_mosaic.version = 14 : i64} {
  func.func @_gather_body(%arg0: i32, %arg1: i32, %arg2: memref<8192x256xf32, #tpu.memory_space<hbm>>, %arg3: memref<65536xi32, #tpu.memory_space<hbm>>, %arg4: memref<65536x256xf32, #tpu.memory_space<hbm>>, %arg5: memref<128xi32, #tpu.memory_space<vmem>>, %arg6: memref<128x256xf32, #tpu.memory_space<vmem>>, %arg7: memref<!tpu.dma_semaphore, #tpu.memory_space<semaphore_mem>>) attributes {dimension_semantics = [#tpu.dimension_semantics<core_parallel>, #tpu.dimension_semantics<subcore_parallel>], iteration_bounds = array<i64: 2, 16>, scalar_prefetch = 0 : i64, scratch_operands = 3 : i64, tpu.core_type = #tpu.core_type<sc_vector_subcore>, window_params = [{transform_indices = #map}, {transform_indices = #map1}, {transform_indices = #map}]} {
    %mul3A = arith.constant 2 : i32
    %mul3A_0 = arith.muli %arg1, %mul3A : i32
    %add3A = arith.addi %mul3A_0, %arg0 : i32
    %mul3A_1 = arith.constant 2048 : i32
    %mul3A_2 = arith.muli %add3A, %mul3A_1 : i32
    %scan3A = arith.constant 0 : i32
    %scan3A_3 = arith.constant 0 : i32
    %scan3A_4 = arith.constant 16 : i32
    %scan3A_5 = arith.addi %scan3A_3, %scan3A_4 : i32
    %scan3A_6 = arith.constant 1 : i32
    %scan3A_7 = scf.for %scan3A_9 = %scan3A_3 to %scan3A_5 step %scan3A_6 iter_args(%scan3A_10 = %scan3A) -> (i32)  : i32 {
      %mul3A_11 = arith.constant 128 : i32
      %mul3A_12 = arith.muli %scan3A_9, %mul3A_11 : i32
      %add3A_13 = arith.addi %mul3A_2, %mul3A_12 : i32
      "tpu.region"() ({
        %run_scoped3A = tpu.sem_alloc : memref<!tpu.dma_semaphore, #tpu.memory_space<semaphore_mem>>
        %dma_start3A_19 = tpu.memref_slice %arg3[%add3A_13] : memref<65536xi32, #tpu.memory_space<hbm>> -> memref<128xi32, #tpu.memory_space<hbm>>
        %dma_start3A_20 = tpu.memref_slice %arg3[%add3A_13] : memref<65536xi32, #tpu.memory_space<hbm>> -> memref<128xi32, #tpu.memory_space<hbm>>
        tpu.enqueue_dma source(%dma_start3A_20 : memref<128xi32, #tpu.memory_space<hbm>>) target(%arg5 : memref<128xi32, #tpu.memory_space<vmem>>) target_semaphore(%run_scoped3A : memref<!tpu.dma_semaphore, #tpu.memory_space<semaphore_mem>>)
        %dma_wait3A_21 = tpu.memref_slice %arg3[%add3A_13] : memref<65536xi32, #tpu.memory_space<hbm>> -> memref<128xi32, #tpu.memory_space<hbm>>
        %dma_wait3A_22 = tpu.memref_slice %arg3[%add3A_13] : memref<65536xi32, #tpu.memory_space<hbm>> -> memref<128xi32, #tpu.memory_space<hbm>>
        tpu.wait_dma2 semaphore(%run_scoped3A : memref<!tpu.dma_semaphore, #tpu.memory_space<semaphore_mem>>) src(%dma_wait3A_22 : memref<128xi32, #tpu.memory_space<hbm>>) dst(%arg5 : memref<128xi32, #tpu.memory_space<vmem>>)
        tpu.yield
      }) : () -> ()
      %dma_start3A = arith.constant 0 : i32
      %dma_start3A_14 = arith.constant 0 : i32
      %dma_start3A_15 = tpu.memref_slice %arg2[%dma_start3A, %dma_start3A_14] : memref<8192x256xf32, #tpu.memory_space<hbm>> -> memref<8192x256xf32, #tpu.memory_space<hbm>>
      tpu.enqueue_indirect_dma source(%dma_start3A_15 : memref<8192x256xf32, #tpu.memory_space<hbm>>) target(%arg6 : memref<128x256xf32, #tpu.memory_space<vmem>>) offsets(%arg5 : memref<128xi32, #tpu.memory_space<vmem>>) semaphore(%arg7 : memref<!tpu.dma_semaphore, #tpu.memory_space<semaphore_mem>>)
      %dma_wait3A = arith.constant 0 : i32
      %dma_wait3A_16 = arith.constant 0 : i32
      %dma_wait3A_17 = tpu.memref_slice %arg2[%dma_wait3A, %dma_wait3A_16] : memref<8192x256xf32, #tpu.memory_space<hbm>> -> memref<8192x256xf32, #tpu.memory_space<hbm>>
      tpu.wait_indirect_dma semaphore(%arg7 : memref<!tpu.dma_semaphore, #tpu.memory_space<semaphore_mem>>) src(%dma_wait3A_17 : memref<8192x256xf32, #tpu.memory_space<hbm>>) dst(%arg6 : memref<128x256xf32, #tpu.memory_space<vmem>>)
      "tpu.region"() ({
        %run_scoped3A = tpu.sem_alloc : memref<!tpu.dma_semaphore, #tpu.memory_space<semaphore_mem>>
        %dma_start3A_19 = arith.constant 0 : i32
        %dma_start3A_20 = tpu.memref_slice %arg4[%add3A_13, %dma_start3A_19] : memref<65536x256xf32, #tpu.memory_space<hbm>> -> memref<128x256xf32, #tpu.memory_space<hbm>>
        %dma_start3A_21 = arith.constant 0 : i32
        %dma_start3A_22 = tpu.memref_slice %arg4[%add3A_13, %dma_start3A_21] : memref<65536x256xf32, #tpu.memory_space<hbm>> -> memref<128x256xf32, #tpu.memory_space<hbm>>
        tpu.enqueue_dma source(%arg6 : memref<128x256xf32, #tpu.memory_space<vmem>>) target(%dma_start3A_22 : memref<128x256xf32, #tpu.memory_space<hbm>>) target_semaphore(%run_scoped3A : memref<!tpu.dma_semaphore, #tpu.memory_space<semaphore_mem>>)
        %dma_wait3A_23 = arith.constant 0 : i32
        %dma_wait3A_24 = tpu.memref_slice %arg4[%add3A_13, %dma_wait3A_23] : memref<65536x256xf32, #tpu.memory_space<hbm>> -> memref<128x256xf32, #tpu.memory_space<hbm>>
        %dma_wait3A_25 = arith.constant 0 : i32
        %dma_wait3A_26 = tpu.memref_slice %arg4[%add3A_13, %dma_wait3A_25] : memref<65536x256xf32, #tpu.memory_space<hbm>> -> memref<128x256xf32, #tpu.memory_space<hbm>>
        tpu.wait_dma2 semaphore(%run_scoped3A : memref<!tpu.dma_semaphore, #tpu.memory_space<semaphore_mem>>) src(%arg6 : memref<128x256xf32, #tpu.memory_space<vmem>>) dst(%dma_wait3A_26 : memref<128x256xf32, #tpu.memory_space<hbm>>)
        tpu.yield
      }) : () -> ()
      %scan3A_18 = arith.constant 0 : i32
      scf.yield %scan3A_18 : i32
    }
    %scan3A_8 = arith.constant 16 : i32
    return
  }
}

module attributes {stable_mosaic.version = 14 : i64} {
  func.func @_argmin_body(%arg0: i32, %arg1: memref<256x256xbf16, #tpu.memory_space<vmem>>, %arg2: memref<256x1xf32, #tpu.memory_space<vmem>>, %arg3: memref<9216x256xbf16, #tpu.memory_space<vmem>>, %arg4: memref<1x9216xf32, #tpu.memory_space<vmem>>, %arg5: memref<256x1xi32, #tpu.memory_space<vmem>>) attributes {dimension_semantics = [#tpu.dimension_semantics<arbitrary>], iteration_bounds = array<i64: 256>, scalar_prefetch = 0 : i64, scratch_operands = 0 : i64, tpu.core_type = #tpu.core_type<tc>, window_params = [{transform_indices = @transform_0, window_bounds = array<i64: 256, 256>}, {transform_indices = @transform_1, window_bounds = array<i64: 256, 1>}, {pipeline_mode = #tpu.pipeline_mode<synchronous>, transform_indices = @transform_2, window_bounds = array<i64: 9216, 256>}, {pipeline_mode = #tpu.pipeline_mode<synchronous>, transform_indices = @transform_3, window_bounds = array<i64: 1, 9216>}, {transform_indices = @transform_4, window_bounds = array<i64: 256, 1>}]} {
    %get3A = arith.constant 0 : index
    %get3A_0 = arith.constant 0 : index
    %get3A_1 = vector.load %arg1[%get3A, %get3A_0] : memref<256x256xbf16, #tpu.memory_space<vmem>>, vector<256x256xbf16>
    %get3A_2 = arith.constant 0 : index
    %get3A_3 = arith.constant 0 : index
    %get3A_4 = vector.load %arg2[%get3A_2, %get3A_3] : memref<256x1xf32, #tpu.memory_space<vmem>>, vector<256x1xf32>
    %broadcast_in_dim3A = arith.constant 0x7F800000 : f32
    %broadcast_in_dim3A_5 = vector.broadcast %broadcast_in_dim3A : f32 to vector<256x128xf32>
    %broadcast_in_dim3A_6 = arith.constant 0x7F800000 : f32
    %broadcast_in_dim3A_7 = vector.broadcast %broadcast_in_dim3A_6 : f32 to vector<256x128xf32>
    %broadcast_in_dim3A_8 = arith.constant 0x7F800000 : f32
    %broadcast_in_dim3A_9 = vector.broadcast %broadcast_in_dim3A_8 : f32 to vector<256x128xf32>
    %broadcast_in_dim3A_10 = arith.constant 0x7F800000 : f32
    %broadcast_in_dim3A_11 = vector.broadcast %broadcast_in_dim3A_10 : f32 to vector<256x128xf32>
    %broadcast_in_dim3A_12 = arith.constant 0 : i32
    %broadcast_in_dim3A_13 = vector.broadcast %broadcast_in_dim3A_12 : i32 to vector<256x128xi32>
    %broadcast_in_dim3A_14 = arith.constant 0 : i32
    %broadcast_in_dim3A_15 = vector.broadcast %broadcast_in_dim3A_14 : i32 to vector<256x128xi32>
    %broadcast_in_dim3A_16 = arith.constant 0 : i32
    %broadcast_in_dim3A_17 = vector.broadcast %broadcast_in_dim3A_16 : i32 to vector<256x128xi32>
    %broadcast_in_dim3A_18 = arith.constant 0 : i32
    %broadcast_in_dim3A_19 = vector.broadcast %broadcast_in_dim3A_18 : i32 to vector<256x128xi32>
    %get3A_20 = arith.constant 0 : index
    %get3A_21 = arith.constant 0 : index
    %get3A_22 = vector.load %arg3[%get3A_20, %get3A_21] : memref<9216x256xbf16, #tpu.memory_space<vmem>>, vector<512x256xbf16>
    %dot_general3A = arith.constant dense<0.000000e+00> : vector<256x512xf32>
    %dot_general3A_23 = tpu.matmul %get3A_1, %get3A_22, %dot_general3A {dimension_numbers = #tpu.dot_dimension_numbers<[1], [1], [0], [0], [0, 0, 1, 0], [], []>, transpose_lhs_hint = false} : vector<256x256xbf16>, vector<512x256xbf16>, vector<256x512xf32> -> vector<256x512xf32>
    %get3A_24 = arith.constant 0 : index
    %get3A_25 = arith.constant 0 : index
    %get3A_26 = vector.load %arg4[%get3A_24, %get3A_25] : memref<1x9216xf32, #tpu.memory_space<vmem>>, vector<1x128xf32>
    %slice3A = vector.extract_strided_slice %dot_general3A_23 {offsets = [0, 0], sizes = [256, 128], strides = [1, 1]} : vector<256x512xf32> to vector<256x128xf32>
    %add3A = vector.broadcast %get3A_4 : vector<256x1xf32> to vector<256x128xf32>
    %add3A_27 = arith.addf %add3A, %slice3A : vector<256x128xf32>
    %add3A_28 = vector.broadcast %get3A_26 : vector<1x128xf32> to vector<256x128xf32>
    %add3A_29 = arith.addf %add3A_27, %add3A_28 : vector<256x128xf32>
    %lt3A = arith.cmpf olt, %add3A_29, %broadcast_in_dim3A_5 : vector<256x128xf32>
    %select_n3A = arith.select %lt3A, %add3A_29, %broadcast_in_dim3A_5 : vector<256x128xi1>, vector<256x128xf32>
    %jit3A = arith.constant 0 : i32
    %broadcast_in_dim3A_30 = vector.broadcast %jit3A : i32 to vector<256x128xi32>
    %select_n3A_31 = arith.select %lt3A, %broadcast_in_dim3A_30, %broadcast_in_dim3A_13 : vector<256x128xi1>, vector<256x128xi32>
    %get3A_32 = arith.constant 0 : index
    %get3A_33 = arith.constant 128 : index
    %get3A_34 = vector.load %arg4[%get3A_32, %get3A_33] : memref<1x9216xf32, #tpu.memory_space<vmem>>, vector<1x128xf32>
    %slice3A_35 = vector.extract_strided_slice %dot_general3A_23 {offsets = [0, 128], sizes = [256, 128], strides = [1, 1]} : vector<256x512xf32> to vector<256x128xf32>
    %add3A_36 = vector.broadcast %get3A_4 : vector<256x1xf32> to vector<256x128xf32>
    %add3A_37 = arith.addf %add3A_36, %slice3A_35 : vector<256x128xf32>
    %add3A_38 = vector.broadcast %get3A_34 : vector<1x128xf32> to vector<256x128xf32>
    %add3A_39 = arith.addf %add3A_37, %add3A_38 : vector<256x128xf32>
    %lt3A_40 = arith.cmpf olt, %add3A_39, %broadcast_in_dim3A_7 : vector<256x128xf32>
    %select_n3A_41 = arith.select %lt3A_40, %add3A_39, %broadcast_in_dim3A_7 : vector<256x128xi1>, vector<256x128xf32>
    %jit3A_42 = arith.constant 1 : i32
    %broadcast_in_dim3A_43 = vector.broadcast %jit3A_42 : i32 to vector<256x128xi32>
    %select_n3A_44 = arith.select %lt3A_40, %broadcast_in_dim3A_43, %broadcast_in_dim3A_15 : vector<256x128xi1>, vector<256x128xi32>
    %get3A_45 = arith.constant 0 : index
    %get3A_46 = arith.constant 256 : index
    %get3A_47 = vector.load %arg4[%get3A_45, %get3A_46] : memref<1x9216xf32, #tpu.memory_space<vmem>>, vector<1x128xf32>
    %slice3A_48 = vector.extract_strided_slice %dot_general3A_23 {offsets = [0, 256], sizes = [256, 128], strides = [1, 1]} : vector<256x512xf32> to vector<256x128xf32>
    %add3A_49 = vector.broadcast %get3A_4 : vector<256x1xf32> to vector<256x128xf32>
    %add3A_50 = arith.addf %add3A_49, %slice3A_48 : vector<256x128xf32>
    %add3A_51 = vector.broadcast %get3A_47 : vector<1x128xf32> to vector<256x128xf32>
    %add3A_52 = arith.addf %add3A_50, %add3A_51 : vector<256x128xf32>
    %lt3A_53 = arith.cmpf olt, %add3A_52, %broadcast_in_dim3A_9 : vector<256x128xf32>
    %select_n3A_54 = arith.select %lt3A_53, %add3A_52, %broadcast_in_dim3A_9 : vector<256x128xi1>, vector<256x128xf32>
    %jit3A_55 = arith.constant 2 : i32
    %broadcast_in_dim3A_56 = vector.broadcast %jit3A_55 : i32 to vector<256x128xi32>
    %select_n3A_57 = arith.select %lt3A_53, %broadcast_in_dim3A_56, %broadcast_in_dim3A_17 : vector<256x128xi1>, vector<256x128xi32>
    %get3A_58 = arith.constant 0 : index
    %get3A_59 = arith.constant 384 : index
    %get3A_60 = vector.load %arg4[%get3A_58, %get3A_59] : memref<1x9216xf32, #tpu.memory_space<vmem>>, vector<1x128xf32>
    %slice3A_61 = vector.extract_strided_slice %dot_general3A_23 {offsets = [0, 384], sizes = [256, 128], strides = [1, 1]} : vector<256x512xf32> to vector<256x128xf32>
    %add3A_62 = vector.broadcast %get3A_4 : vector<256x1xf32> to vector<256x128xf32>
    %add3A_63 = arith.addf %add3A_62, %slice3A_61 : vector<256x128xf32>
    %add3A_64 = vector.broadcast %get3A_60 : vector<1x128xf32> to vector<256x128xf32>
    %add3A_65 = arith.addf %add3A_63, %add3A_64 : vector<256x128xf32>
    %lt3A_66 = arith.cmpf olt, %add3A_65, %broadcast_in_dim3A_11 : vector<256x128xf32>
    %select_n3A_67 = arith.select %lt3A_66, %add3A_65, %broadcast_in_dim3A_11 : vector<256x128xi1>, vector<256x128xf32>
    %jit3A_68 = arith.constant 3 : i32
    %broadcast_in_dim3A_69 = vector.broadcast %jit3A_68 : i32 to vector<256x128xi32>
    %select_n3A_70 = arith.select %lt3A_66, %broadcast_in_dim3A_69, %broadcast_in_dim3A_19 : vector<256x128xi1>, vector<256x128xi32>
    %get3A_71 = arith.constant 512 : index
    %get3A_72 = arith.constant 0 : index
    %get3A_73 = vector.load %arg3[%get3A_71, %get3A_72] : memref<9216x256xbf16, #tpu.memory_space<vmem>>, vector<512x256xbf16>
    %dot_general3A_74 = arith.constant dense<0.000000e+00> : vector<256x512xf32>
    %dot_general3A_75 = tpu.matmul %get3A_1, %get3A_73, %dot_general3A_74 {dimension_numbers = #tpu.dot_dimension_numbers<[1], [1], [0], [0], [0, 0, 1, 0], [], []>, transpose_lhs_hint = false} : vector<256x256xbf16>, vector<512x256xbf16>, vector<256x512xf32> -> vector<256x512xf32>
    %get3A_76 = arith.constant 0 : index
    %get3A_77 = arith.constant 512 : index
    %get3A_78 = vector.load %arg4[%get3A_76, %get3A_77] : memref<1x9216xf32, #tpu.memory_space<vmem>>, vector<1x128xf32>
    %slice3A_79 = vector.extract_strided_slice %dot_general3A_75 {offsets = [0, 0], sizes = [256, 128], strides = [1, 1]} : vector<256x512xf32> to vector<256x128xf32>
    %add3A_80 = vector.broadcast %get3A_4 : vector<256x1xf32> to vector<256x128xf32>
    %add3A_81 = arith.addf %add3A_80, %slice3A_79 : vector<256x128xf32>
    %add3A_82 = vector.broadcast %get3A_78 : vector<1x128xf32> to vector<256x128xf32>
    %add3A_83 = arith.addf %add3A_81, %add3A_82 : vector<256x128xf32>
    %lt3A_84 = arith.cmpf olt, %add3A_83, %select_n3A : vector<256x128xf32>
    %select_n3A_85 = arith.select %lt3A_84, %add3A_83, %select_n3A : vector<256x128xi1>, vector<256x128xf32>
    %jit3A_86 = arith.constant 4 : i32
    %broadcast_in_dim3A_87 = vector.broadcast %jit3A_86 : i32 to vector<256x128xi32>
    %select_n3A_88 = arith.select %lt3A_84, %broadcast_in_dim3A_87, %select_n3A_31 : vector<256x128xi1>, vector<256x128xi32>
    %get3A_89 = arith.constant 0 : index
    %get3A_90 = arith.constant 640 : index
    %get3A_91 = vector.load %arg4[%get3A_89, %get3A_90] : memref<1x9216xf32, #tpu.memory_space<vmem>>, vector<1x128xf32>
    %slice3A_92 = vector.extract_strided_slice %dot_general3A_75 {offsets = [0, 128], sizes = [256, 128], strides = [1, 1]} : vector<256x512xf32> to vector<256x128xf32>
    %add3A_93 = vector.broadcast %get3A_4 : vector<256x1xf32> to vector<256x128xf32>
    %add3A_94 = arith.addf %add3A_93, %slice3A_92 : vector<256x128xf32>
    %add3A_95 = vector.broadcast %get3A_91 : vector<1x128xf32> to vector<256x128xf32>
    %add3A_96 = arith.addf %add3A_94, %add3A_95 : vector<256x128xf32>
    %lt3A_97 = arith.cmpf olt, %add3A_96, %select_n3A_41 : vector<256x128xf32>
    %select_n3A_98 = arith.select %lt3A_97, %add3A_96, %select_n3A_41 : vector<256x128xi1>, vector<256x128xf32>
    %jit3A_99 = arith.constant 5 : i32
    %broadcast_in_dim3A_100 = vector.broadcast %jit3A_99 : i32 to vector<256x128xi32>
    %select_n3A_101 = arith.select %lt3A_97, %broadcast_in_dim3A_100, %select_n3A_44 : vector<256x128xi1>, vector<256x128xi32>
    %get3A_102 = arith.constant 0 : index
    %get3A_103 = arith.constant 768 : index
    %get3A_104 = vector.load %arg4[%get3A_102, %get3A_103] : memref<1x9216xf32, #tpu.memory_space<vmem>>, vector<1x128xf32>
    %slice3A_105 = vector.extract_strided_slice %dot_general3A_75 {offsets = [0, 256], sizes = [256, 128], strides = [1, 1]} : vector<256x512xf32> to vector<256x128xf32>
    %add3A_106 = vector.broadcast %get3A_4 : vector<256x1xf32> to vector<256x128xf32>
    %add3A_107 = arith.addf %add3A_106, %slice3A_105 : vector<256x128xf32>
    %add3A_108 = vector.broadcast %get3A_104 : vector<1x128xf32> to vector<256x128xf32>
    %add3A_109 = arith.addf %add3A_107, %add3A_108 : vector<256x128xf32>
    %lt3A_110 = arith.cmpf olt, %add3A_109, %select_n3A_54 : vector<256x128xf32>
    %select_n3A_111 = arith.select %lt3A_110, %add3A_109, %select_n3A_54 : vector<256x128xi1>, vector<256x128xf32>
    %jit3A_112 = arith.constant 6 : i32
    %broadcast_in_dim3A_113 = vector.broadcast %jit3A_112 : i32 to vector<256x128xi32>
    %select_n3A_114 = arith.select %lt3A_110, %broadcast_in_dim3A_113, %select_n3A_57 : vector<256x128xi1>, vector<256x128xi32>
    %get3A_115 = arith.constant 0 : index
    %get3A_116 = arith.constant 896 : index
    %get3A_117 = vector.load %arg4[%get3A_115, %get3A_116] : memref<1x9216xf32, #tpu.memory_space<vmem>>, vector<1x128xf32>
    %slice3A_118 = vector.extract_strided_slice %dot_general3A_75 {offsets = [0, 384], sizes = [256, 128], strides = [1, 1]} : vector<256x512xf32> to vector<256x128xf32>
    %add3A_119 = vector.broadcast %get3A_4 : vector<256x1xf32> to vector<256x128xf32>
    %add3A_120 = arith.addf %add3A_119, %slice3A_118 : vector<256x128xf32>
    %add3A_121 = vector.broadcast %get3A_117 : vector<1x128xf32> to vector<256x128xf32>
    %add3A_122 = arith.addf %add3A_120, %add3A_121 : vector<256x128xf32>
    %lt3A_123 = arith.cmpf olt, %add3A_122, %select_n3A_67 : vector<256x128xf32>
    %select_n3A_124 = arith.select %lt3A_123, %add3A_122, %select_n3A_67 : vector<256x128xi1>, vector<256x128xf32>
    %jit3A_125 = arith.constant 7 : i32
    %broadcast_in_dim3A_126 = vector.broadcast %jit3A_125 : i32 to vector<256x128xi32>
    %select_n3A_127 = arith.select %lt3A_123, %broadcast_in_dim3A_126, %select_n3A_70 : vector<256x128xi1>, vector<256x128xi32>
    %get3A_128 = arith.constant 1024 : index
    %get3A_129 = arith.constant 0 : index
    %get3A_130 = vector.load %arg3[%get3A_128, %get3A_129] : memref<9216x256xbf16, #tpu.memory_space<vmem>>, vector<512x256xbf16>
    %dot_general3A_131 = arith.constant dense<0.000000e+00> : vector<256x512xf32>
    %dot_general3A_132 = tpu.matmul %get3A_1, %get3A_130, %dot_general3A_131 {dimension_numbers = #tpu.dot_dimension_numbers<[1], [1], [0], [0], [0, 0, 1, 0], [], []>, transpose_lhs_hint = false} : vector<256x256xbf16>, vector<512x256xbf16>, vector<256x512xf32> -> vector<256x512xf32>
    %get3A_133 = arith.constant 0 : index
    %get3A_134 = arith.constant 1024 : index
    %get3A_135 = vector.load %arg4[%get3A_133, %get3A_134] : memref<1x9216xf32, #tpu.memory_space<vmem>>, vector<1x128xf32>
    %slice3A_136 = vector.extract_strided_slice %dot_general3A_132 {offsets = [0, 0], sizes = [256, 128], strides = [1, 1]} : vector<256x512xf32> to vector<256x128xf32>
    %add3A_137 = vector.broadcast %get3A_4 : vector<256x1xf32> to vector<256x128xf32>
    %add3A_138 = arith.addf %add3A_137, %slice3A_136 : vector<256x128xf32>
    %add3A_139 = vector.broadcast %get3A_135 : vector<1x128xf32> to vector<256x128xf32>
    %add3A_140 = arith.addf %add3A_138, %add3A_139 : vector<256x128xf32>
    %lt3A_141 = arith.cmpf olt, %add3A_140, %select_n3A_85 : vector<256x128xf32>
    %select_n3A_142 = arith.select %lt3A_141, %add3A_140, %select_n3A_85 : vector<256x128xi1>, vector<256x128xf32>
    %jit3A_143 = arith.constant 8 : i32
    %broadcast_in_dim3A_144 = vector.broadcast %jit3A_143 : i32 to vector<256x128xi32>
    %select_n3A_145 = arith.select %lt3A_141, %broadcast_in_dim3A_144, %select_n3A_88 : vector<256x128xi1>, vector<256x128xi32>
    %get3A_146 = arith.constant 0 : index
    %get3A_147 = arith.constant 1152 : index
    %get3A_148 = vector.load %arg4[%get3A_146, %get3A_147] : memref<1x9216xf32, #tpu.memory_space<vmem>>, vector<1x128xf32>
    %slice3A_149 = vector.extract_strided_slice %dot_general3A_132 {offsets = [0, 128], sizes = [256, 128], strides = [1, 1]} : vector<256x512xf32> to vector<256x128xf32>
    %add3A_150 = vector.broadcast %get3A_4 : vector<256x1xf32> to vector<256x128xf32>
    %add3A_151 = arith.addf %add3A_150, %slice3A_149 : vector<256x128xf32>
    %add3A_152 = vector.broadcast %get3A_148 : vector<1x128xf32> to vector<256x128xf32>
    %add3A_153 = arith.addf %add3A_151, %add3A_152 : vector<256x128xf32>
    %lt3A_154 = arith.cmpf olt, %add3A_153, %select_n3A_98 : vector<256x128xf32>
    %select_n3A_155 = arith.select %lt3A_154, %add3A_153, %select_n3A_98 : vector<256x128xi1>, vector<256x128xf32>
    %jit3A_156 = arith.constant 9 : i32
    %broadcast_in_dim3A_157 = vector.broadcast %jit3A_156 : i32 to vector<256x128xi32>
    %select_n3A_158 = arith.select %lt3A_154, %broadcast_in_dim3A_157, %select_n3A_101 : vector<256x128xi1>, vector<256x128xi32>
    %get3A_159 = arith.constant 0 : index
    %get3A_160 = arith.constant 1280 : index
    %get3A_161 = vector.load %arg4[%get3A_159, %get3A_160] : memref<1x9216xf32, #tpu.memory_space<vmem>>, vector<1x128xf32>
    %slice3A_162 = vector.extract_strided_slice %dot_general3A_132 {offsets = [0, 256], sizes = [256, 128], strides = [1, 1]} : vector<256x512xf32> to vector<256x128xf32>
    %add3A_163 = vector.broadcast %get3A_4 : vector<256x1xf32> to vector<256x128xf32>
    %add3A_164 = arith.addf %add3A_163, %slice3A_162 : vector<256x128xf32>
    %add3A_165 = vector.broadcast %get3A_161 : vector<1x128xf32> to vector<256x128xf32>
    %add3A_166 = arith.addf %add3A_164, %add3A_165 : vector<256x128xf32>
    %lt3A_167 = arith.cmpf olt, %add3A_166, %select_n3A_111 : vector<256x128xf32>
    %select_n3A_168 = arith.select %lt3A_167, %add3A_166, %select_n3A_111 : vector<256x128xi1>, vector<256x128xf32>
    %jit3A_169 = arith.constant 10 : i32
    %broadcast_in_dim3A_170 = vector.broadcast %jit3A_169 : i32 to vector<256x128xi32>
    %select_n3A_171 = arith.select %lt3A_167, %broadcast_in_dim3A_170, %select_n3A_114 : vector<256x128xi1>, vector<256x128xi32>
    %get3A_172 = arith.constant 0 : index
    %get3A_173 = arith.constant 1408 : index
    %get3A_174 = vector.load %arg4[%get3A_172, %get3A_173] : memref<1x9216xf32, #tpu.memory_space<vmem>>, vector<1x128xf32>
    %slice3A_175 = vector.extract_strided_slice %dot_general3A_132 {offsets = [0, 384], sizes = [256, 128], strides = [1, 1]} : vector<256x512xf32> to vector<256x128xf32>
    %add3A_176 = vector.broadcast %get3A_4 : vector<256x1xf32> to vector<256x128xf32>
    %add3A_177 = arith.addf %add3A_176, %slice3A_175 : vector<256x128xf32>
    %add3A_178 = vector.broadcast %get3A_174 : vector<1x128xf32> to vector<256x128xf32>
    %add3A_179 = arith.addf %add3A_177, %add3A_178 : vector<256x128xf32>
    %lt3A_180 = arith.cmpf olt, %add3A_179, %select_n3A_124 : vector<256x128xf32>
    %select_n3A_181 = arith.select %lt3A_180, %add3A_179, %select_n3A_124 : vector<256x128xi1>, vector<256x128xf32>
    %jit3A_182 = arith.constant 11 : i32
    %broadcast_in_dim3A_183 = vector.broadcast %jit3A_182 : i32 to vector<256x128xi32>
    %select_n3A_184 = arith.select %lt3A_180, %broadcast_in_dim3A_183, %select_n3A_127 : vector<256x128xi1>, vector<256x128xi32>
    %get3A_185 = arith.constant 1536 : index
    %get3A_186 = arith.constant 0 : index
    %get3A_187 = vector.load %arg3[%get3A_185, %get3A_186] : memref<9216x256xbf16, #tpu.memory_space<vmem>>, vector<512x256xbf16>
    %dot_general3A_188 = arith.constant dense<0.000000e+00> : vector<256x512xf32>
    %dot_general3A_189 = tpu.matmul %get3A_1, %get3A_187, %dot_general3A_188 {dimension_numbers = #tpu.dot_dimension_numbers<[1], [1], [0], [0], [0, 0, 1, 0], [], []>, transpose_lhs_hint = false} : vector<256x256xbf16>, vector<512x256xbf16>, vector<256x512xf32> -> vector<256x512xf32>
    %get3A_190 = arith.constant 0 : index
    %get3A_191 = arith.constant 1536 : index
    %get3A_192 = vector.load %arg4[%get3A_190, %get3A_191] : memref<1x9216xf32, #tpu.memory_space<vmem>>, vector<1x128xf32>
    %slice3A_193 = vector.extract_strided_slice %dot_general3A_189 {offsets = [0, 0], sizes = [256, 128], strides = [1, 1]} : vector<256x512xf32> to vector<256x128xf32>
    %add3A_194 = vector.broadcast %get3A_4 : vector<256x1xf32> to vector<256x128xf32>
    %add3A_195 = arith.addf %add3A_194, %slice3A_193 : vector<256x128xf32>
    %add3A_196 = vector.broadcast %get3A_192 : vector<1x128xf32> to vector<256x128xf32>
    %add3A_197 = arith.addf %add3A_195, %add3A_196 : vector<256x128xf32>
    %lt3A_198 = arith.cmpf olt, %add3A_197, %select_n3A_142 : vector<256x128xf32>
    %select_n3A_199 = arith.select %lt3A_198, %add3A_197, %select_n3A_142 : vector<256x128xi1>, vector<256x128xf32>
    %jit3A_200 = arith.constant 12 : i32
    %broadcast_in_dim3A_201 = vector.broadcast %jit3A_200 : i32 to vector<256x128xi32>
    %select_n3A_202 = arith.select %lt3A_198, %broadcast_in_dim3A_201, %select_n3A_145 : vector<256x128xi1>, vector<256x128xi32>
    %get3A_203 = arith.constant 0 : index
    %get3A_204 = arith.constant 1664 : index
    %get3A_205 = vector.load %arg4[%get3A_203, %get3A_204] : memref<1x9216xf32, #tpu.memory_space<vmem>>, vector<1x128xf32>
    %slice3A_206 = vector.extract_strided_slice %dot_general3A_189 {offsets = [0, 128], sizes = [256, 128], strides = [1, 1]} : vector<256x512xf32> to vector<256x128xf32>
    %add3A_207 = vector.broadcast %get3A_4 : vector<256x1xf32> to vector<256x128xf32>
    %add3A_208 = arith.addf %add3A_207, %slice3A_206 : vector<256x128xf32>
    %add3A_209 = vector.broadcast %get3A_205 : vector<1x128xf32> to vector<256x128xf32>
    %add3A_210 = arith.addf %add3A_208, %add3A_209 : vector<256x128xf32>
    %lt3A_211 = arith.cmpf olt, %add3A_210, %select_n3A_155 : vector<256x128xf32>
    %select_n3A_212 = arith.select %lt3A_211, %add3A_210, %select_n3A_155 : vector<256x128xi1>, vector<256x128xf32>
    %jit3A_213 = arith.constant 13 : i32
    %broadcast_in_dim3A_214 = vector.broadcast %jit3A_213 : i32 to vector<256x128xi32>
    %select_n3A_215 = arith.select %lt3A_211, %broadcast_in_dim3A_214, %select_n3A_158 : vector<256x128xi1>, vector<256x128xi32>
    %get3A_216 = arith.constant 0 : index
    %get3A_217 = arith.constant 1792 : index
    %get3A_218 = vector.load %arg4[%get3A_216, %get3A_217] : memref<1x9216xf32, #tpu.memory_space<vmem>>, vector<1x128xf32>
    %slice3A_219 = vector.extract_strided_slice %dot_general3A_189 {offsets = [0, 256], sizes = [256, 128], strides = [1, 1]} : vector<256x512xf32> to vector<256x128xf32>
    %add3A_220 = vector.broadcast %get3A_4 : vector<256x1xf32> to vector<256x128xf32>
    %add3A_221 = arith.addf %add3A_220, %slice3A_219 : vector<256x128xf32>
    %add3A_222 = vector.broadcast %get3A_218 : vector<1x128xf32> to vector<256x128xf32>
    %add3A_223 = arith.addf %add3A_221, %add3A_222 : vector<256x128xf32>
    %lt3A_224 = arith.cmpf olt, %add3A_223, %select_n3A_168 : vector<256x128xf32>
    %select_n3A_225 = arith.select %lt3A_224, %add3A_223, %select_n3A_168 : vector<256x128xi1>, vector<256x128xf32>
    %jit3A_226 = arith.constant 14 : i32
    %broadcast_in_dim3A_227 = vector.broadcast %jit3A_226 : i32 to vector<256x128xi32>
    %select_n3A_228 = arith.select %lt3A_224, %broadcast_in_dim3A_227, %select_n3A_171 : vector<256x128xi1>, vector<256x128xi32>
    %get3A_229 = arith.constant 0 : index
    %get3A_230 = arith.constant 1920 : index
    %get3A_231 = vector.load %arg4[%get3A_229, %get3A_230] : memref<1x9216xf32, #tpu.memory_space<vmem>>, vector<1x128xf32>
    %slice3A_232 = vector.extract_strided_slice %dot_general3A_189 {offsets = [0, 384], sizes = [256, 128], strides = [1, 1]} : vector<256x512xf32> to vector<256x128xf32>
    %add3A_233 = vector.broadcast %get3A_4 : vector<256x1xf32> to vector<256x128xf32>
    %add3A_234 = arith.addf %add3A_233, %slice3A_232 : vector<256x128xf32>
    %add3A_235 = vector.broadcast %get3A_231 : vector<1x128xf32> to vector<256x128xf32>
    %add3A_236 = arith.addf %add3A_234, %add3A_235 : vector<256x128xf32>
    %lt3A_237 = arith.cmpf olt, %add3A_236, %select_n3A_181 : vector<256x128xf32>
    %select_n3A_238 = arith.select %lt3A_237, %add3A_236, %select_n3A_181 : vector<256x128xi1>, vector<256x128xf32>
    %jit3A_239 = arith.constant 15 : i32
    %broadcast_in_dim3A_240 = vector.broadcast %jit3A_239 : i32 to vector<256x128xi32>
    %select_n3A_241 = arith.select %lt3A_237, %broadcast_in_dim3A_240, %select_n3A_184 : vector<256x128xi1>, vector<256x128xi32>
    %get3A_242 = arith.constant 2048 : index
    %get3A_243 = arith.constant 0 : index
    %get3A_244 = vector.load %arg3[%get3A_242, %get3A_243] : memref<9216x256xbf16, #tpu.memory_space<vmem>>, vector<512x256xbf16>
    %dot_general3A_245 = arith.constant dense<0.000000e+00> : vector<256x512xf32>
    %dot_general3A_246 = tpu.matmul %get3A_1, %get3A_244, %dot_general3A_245 {dimension_numbers = #tpu.dot_dimension_numbers<[1], [1], [0], [0], [0, 0, 1, 0], [], []>, transpose_lhs_hint = false} : vector<256x256xbf16>, vector<512x256xbf16>, vector<256x512xf32> -> vector<256x512xf32>
    %get3A_247 = arith.constant 0 : index
    %get3A_248 = arith.constant 2048 : index
    %get3A_249 = vector.load %arg4[%get3A_247, %get3A_248] : memref<1x9216xf32, #tpu.memory_space<vmem>>, vector<1x128xf32>
    %slice3A_250 = vector.extract_strided_slice %dot_general3A_246 {offsets = [0, 0], sizes = [256, 128], strides = [1, 1]} : vector<256x512xf32> to vector<256x128xf32>
    %add3A_251 = vector.broadcast %get3A_4 : vector<256x1xf32> to vector<256x128xf32>
    %add3A_252 = arith.addf %add3A_251, %slice3A_250 : vector<256x128xf32>
    %add3A_253 = vector.broadcast %get3A_249 : vector<1x128xf32> to vector<256x128xf32>
    %add3A_254 = arith.addf %add3A_252, %add3A_253 : vector<256x128xf32>
    %lt3A_255 = arith.cmpf olt, %add3A_254, %select_n3A_199 : vector<256x128xf32>
    %select_n3A_256 = arith.select %lt3A_255, %add3A_254, %select_n3A_199 : vector<256x128xi1>, vector<256x128xf32>
    %jit3A_257 = arith.constant 16 : i32
    %broadcast_in_dim3A_258 = vector.broadcast %jit3A_257 : i32 to vector<256x128xi32>
    %select_n3A_259 = arith.select %lt3A_255, %broadcast_in_dim3A_258, %select_n3A_202 : vector<256x128xi1>, vector<256x128xi32>
    %get3A_260 = arith.constant 0 : index
    %get3A_261 = arith.constant 2176 : index
    %get3A_262 = vector.load %arg4[%get3A_260, %get3A_261] : memref<1x9216xf32, #tpu.memory_space<vmem>>, vector<1x128xf32>
    %slice3A_263 = vector.extract_strided_slice %dot_general3A_246 {offsets = [0, 128], sizes = [256, 128], strides = [1, 1]} : vector<256x512xf32> to vector<256x128xf32>
    %add3A_264 = vector.broadcast %get3A_4 : vector<256x1xf32> to vector<256x128xf32>
    %add3A_265 = arith.addf %add3A_264, %slice3A_263 : vector<256x128xf32>
    %add3A_266 = vector.broadcast %get3A_262 : vector<1x128xf32> to vector<256x128xf32>
    %add3A_267 = arith.addf %add3A_265, %add3A_266 : vector<256x128xf32>
    %lt3A_268 = arith.cmpf olt, %add3A_267, %select_n3A_212 : vector<256x128xf32>
    %select_n3A_269 = arith.select %lt3A_268, %add3A_267, %select_n3A_212 : vector<256x128xi1>, vector<256x128xf32>
    %jit3A_270 = arith.constant 17 : i32
    %broadcast_in_dim3A_271 = vector.broadcast %jit3A_270 : i32 to vector<256x128xi32>
    %select_n3A_272 = arith.select %lt3A_268, %broadcast_in_dim3A_271, %select_n3A_215 : vector<256x128xi1>, vector<256x128xi32>
    %get3A_273 = arith.constant 0 : index
    %get3A_274 = arith.constant 2304 : index
    %get3A_275 = vector.load %arg4[%get3A_273, %get3A_274] : memref<1x9216xf32, #tpu.memory_space<vmem>>, vector<1x128xf32>
    %slice3A_276 = vector.extract_strided_slice %dot_general3A_246 {offsets = [0, 256], sizes = [256, 128], strides = [1, 1]} : vector<256x512xf32> to vector<256x128xf32>
    %add3A_277 = vector.broadcast %get3A_4 : vector<256x1xf32> to vector<256x128xf32>
    %add3A_278 = arith.addf %add3A_277, %slice3A_276 : vector<256x128xf32>
    %add3A_279 = vector.broadcast %get3A_275 : vector<1x128xf32> to vector<256x128xf32>
    %add3A_280 = arith.addf %add3A_278, %add3A_279 : vector<256x128xf32>
    %lt3A_281 = arith.cmpf olt, %add3A_280, %select_n3A_225 : vector<256x128xf32>
    %select_n3A_282 = arith.select %lt3A_281, %add3A_280, %select_n3A_225 : vector<256x128xi1>, vector<256x128xf32>
    %jit3A_283 = arith.constant 18 : i32
    %broadcast_in_dim3A_284 = vector.broadcast %jit3A_283 : i32 to vector<256x128xi32>
    %select_n3A_285 = arith.select %lt3A_281, %broadcast_in_dim3A_284, %select_n3A_228 : vector<256x128xi1>, vector<256x128xi32>
    %get3A_286 = arith.constant 0 : index
    %get3A_287 = arith.constant 2432 : index
    %get3A_288 = vector.load %arg4[%get3A_286, %get3A_287] : memref<1x9216xf32, #tpu.memory_space<vmem>>, vector<1x128xf32>
    %slice3A_289 = vector.extract_strided_slice %dot_general3A_246 {offsets = [0, 384], sizes = [256, 128], strides = [1, 1]} : vector<256x512xf32> to vector<256x128xf32>
    %add3A_290 = vector.broadcast %get3A_4 : vector<256x1xf32> to vector<256x128xf32>
    %add3A_291 = arith.addf %add3A_290, %slice3A_289 : vector<256x128xf32>
    %add3A_292 = vector.broadcast %get3A_288 : vector<1x128xf32> to vector<256x128xf32>
    %add3A_293 = arith.addf %add3A_291, %add3A_292 : vector<256x128xf32>
    %lt3A_294 = arith.cmpf olt, %add3A_293, %select_n3A_238 : vector<256x128xf32>
    %select_n3A_295 = arith.select %lt3A_294, %add3A_293, %select_n3A_238 : vector<256x128xi1>, vector<256x128xf32>
    %jit3A_296 = arith.constant 19 : i32
    %broadcast_in_dim3A_297 = vector.broadcast %jit3A_296 : i32 to vector<256x128xi32>
    %select_n3A_298 = arith.select %lt3A_294, %broadcast_in_dim3A_297, %select_n3A_241 : vector<256x128xi1>, vector<256x128xi32>
    %get3A_299 = arith.constant 2560 : index
    %get3A_300 = arith.constant 0 : index
    %get3A_301 = vector.load %arg3[%get3A_299, %get3A_300] : memref<9216x256xbf16, #tpu.memory_space<vmem>>, vector<512x256xbf16>
    %dot_general3A_302 = arith.constant dense<0.000000e+00> : vector<256x512xf32>
    %dot_general3A_303 = tpu.matmul %get3A_1, %get3A_301, %dot_general3A_302 {dimension_numbers = #tpu.dot_dimension_numbers<[1], [1], [0], [0], [0, 0, 1, 0], [], []>, transpose_lhs_hint = false} : vector<256x256xbf16>, vector<512x256xbf16>, vector<256x512xf32> -> vector<256x512xf32>
    %get3A_304 = arith.constant 0 : index
    %get3A_305 = arith.constant 2560 : index
    %get3A_306 = vector.load %arg4[%get3A_304, %get3A_305] : memref<1x9216xf32, #tpu.memory_space<vmem>>, vector<1x128xf32>
    %slice3A_307 = vector.extract_strided_slice %dot_general3A_303 {offsets = [0, 0], sizes = [256, 128], strides = [1, 1]} : vector<256x512xf32> to vector<256x128xf32>
    %add3A_308 = vector.broadcast %get3A_4 : vector<256x1xf32> to vector<256x128xf32>
    %add3A_309 = arith.addf %add3A_308, %slice3A_307 : vector<256x128xf32>
    %add3A_310 = vector.broadcast %get3A_306 : vector<1x128xf32> to vector<256x128xf32>
    %add3A_311 = arith.addf %add3A_309, %add3A_310 : vector<256x128xf32>
    %lt3A_312 = arith.cmpf olt, %add3A_311, %select_n3A_256 : vector<256x128xf32>
    %select_n3A_313 = arith.select %lt3A_312, %add3A_311, %select_n3A_256 : vector<256x128xi1>, vector<256x128xf32>
    %jit3A_314 = arith.constant 20 : i32
    %broadcast_in_dim3A_315 = vector.broadcast %jit3A_314 : i32 to vector<256x128xi32>
    %select_n3A_316 = arith.select %lt3A_312, %broadcast_in_dim3A_315, %select_n3A_259 : vector<256x128xi1>, vector<256x128xi32>
    %get3A_317 = arith.constant 0 : index
    %get3A_318 = arith.constant 2688 : index
    %get3A_319 = vector.load %arg4[%get3A_317, %get3A_318] : memref<1x9216xf32, #tpu.memory_space<vmem>>, vector<1x128xf32>
    %slice3A_320 = vector.extract_strided_slice %dot_general3A_303 {offsets = [0, 128], sizes = [256, 128], strides = [1, 1]} : vector<256x512xf32> to vector<256x128xf32>
    %add3A_321 = vector.broadcast %get3A_4 : vector<256x1xf32> to vector<256x128xf32>
    %add3A_322 = arith.addf %add3A_321, %slice3A_320 : vector<256x128xf32>
    %add3A_323 = vector.broadcast %get3A_319 : vector<1x128xf32> to vector<256x128xf32>
    %add3A_324 = arith.addf %add3A_322, %add3A_323 : vector<256x128xf32>
    %lt3A_325 = arith.cmpf olt, %add3A_324, %select_n3A_269 : vector<256x128xf32>
    %select_n3A_326 = arith.select %lt3A_325, %add3A_324, %select_n3A_269 : vector<256x128xi1>, vector<256x128xf32>
    %jit3A_327 = arith.constant 21 : i32
    %broadcast_in_dim3A_328 = vector.broadcast %jit3A_327 : i32 to vector<256x128xi32>
    %select_n3A_329 = arith.select %lt3A_325, %broadcast_in_dim3A_328, %select_n3A_272 : vector<256x128xi1>, vector<256x128xi32>
    %get3A_330 = arith.constant 0 : index
    %get3A_331 = arith.constant 2816 : index
    %get3A_332 = vector.load %arg4[%get3A_330, %get3A_331] : memref<1x9216xf32, #tpu.memory_space<vmem>>, vector<1x128xf32>
    %slice3A_333 = vector.extract_strided_slice %dot_general3A_303 {offsets = [0, 256], sizes = [256, 128], strides = [1, 1]} : vector<256x512xf32> to vector<256x128xf32>
    %add3A_334 = vector.broadcast %get3A_4 : vector<256x1xf32> to vector<256x128xf32>
    %add3A_335 = arith.addf %add3A_334, %slice3A_333 : vector<256x128xf32>
    %add3A_336 = vector.broadcast %get3A_332 : vector<1x128xf32> to vector<256x128xf32>
    %add3A_337 = arith.addf %add3A_335, %add3A_336 : vector<256x128xf32>
    %lt3A_338 = arith.cmpf olt, %add3A_337, %select_n3A_282 : vector<256x128xf32>
    %select_n3A_339 = arith.select %lt3A_338, %add3A_337, %select_n3A_282 : vector<256x128xi1>, vector<256x128xf32>
    %jit3A_340 = arith.constant 22 : i32
    %broadcast_in_dim3A_341 = vector.broadcast %jit3A_340 : i32 to vector<256x128xi32>
    %select_n3A_342 = arith.select %lt3A_338, %broadcast_in_dim3A_341, %select_n3A_285 : vector<256x128xi1>, vector<256x128xi32>
    %get3A_343 = arith.constant 0 : index
    %get3A_344 = arith.constant 2944 : index
    %get3A_345 = vector.load %arg4[%get3A_343, %get3A_344] : memref<1x9216xf32, #tpu.memory_space<vmem>>, vector<1x128xf32>
    %slice3A_346 = vector.extract_strided_slice %dot_general3A_303 {offsets = [0, 384], sizes = [256, 128], strides = [1, 1]} : vector<256x512xf32> to vector<256x128xf32>
    %add3A_347 = vector.broadcast %get3A_4 : vector<256x1xf32> to vector<256x128xf32>
    %add3A_348 = arith.addf %add3A_347, %slice3A_346 : vector<256x128xf32>
    %add3A_349 = vector.broadcast %get3A_345 : vector<1x128xf32> to vector<256x128xf32>
    %add3A_350 = arith.addf %add3A_348, %add3A_349 : vector<256x128xf32>
    %lt3A_351 = arith.cmpf olt, %add3A_350, %select_n3A_295 : vector<256x128xf32>
    %select_n3A_352 = arith.select %lt3A_351, %add3A_350, %select_n3A_295 : vector<256x128xi1>, vector<256x128xf32>
    %jit3A_353 = arith.constant 23 : i32
    %broadcast_in_dim3A_354 = vector.broadcast %jit3A_353 : i32 to vector<256x128xi32>
    %select_n3A_355 = arith.select %lt3A_351, %broadcast_in_dim3A_354, %select_n3A_298 : vector<256x128xi1>, vector<256x128xi32>
    %iota3A = tpu.iota {dimensions = array<i32: 1>} : vector<256x128xi32>
    %mul3A = arith.constant 128 : i32
    %mul3A_356 = vector.broadcast %mul3A : i32 to vector<256x128xi32>
    %mul3A_357 = arith.muli %select_n3A_316, %mul3A_356 : vector<256x128xi32>
    %add3A_358 = arith.addi %mul3A_357, %iota3A : vector<256x128xi32>
    %mul3A_359 = arith.constant 128 : i32
    %mul3A_360 = vector.broadcast %mul3A_359 : i32 to vector<256x128xi32>
    %mul3A_361 = arith.muli %select_n3A_329, %mul3A_360 : vector<256x128xi32>
    %add3A_362 = arith.addi %mul3A_361, %iota3A : vector<256x128xi32>
    %lt3A_363 = arith.cmpf olt, %select_n3A_326, %select_n3A_313 : vector<256x128xf32>
    %eq3A = arith.cmpf oeq, %select_n3A_326, %select_n3A_313 : vector<256x128xf32>
    %lt3A_364 = arith.cmpi slt, %add3A_362, %add3A_358 : vector<256x128xi32>
    %and3A = arith.andi %eq3A, %lt3A_364 : vector<256x128xi1>
    %or3A = arith.ori %lt3A_363, %and3A : vector<256x128xi1>
    %select_n3A_365 = arith.select %or3A, %select_n3A_326, %select_n3A_313 : vector<256x128xi1>, vector<256x128xf32>
    %select_n3A_366 = arith.select %or3A, %add3A_362, %add3A_358 : vector<256x128xi1>, vector<256x128xi32>
    %mul3A_367 = arith.constant 128 : i32
    %mul3A_368 = vector.broadcast %mul3A_367 : i32 to vector<256x128xi32>
    %mul3A_369 = arith.muli %select_n3A_342, %mul3A_368 : vector<256x128xi32>
    %add3A_370 = arith.addi %mul3A_369, %iota3A : vector<256x128xi32>
    %lt3A_371 = arith.cmpf olt, %select_n3A_339, %select_n3A_365 : vector<256x128xf32>
    %eq3A_372 = arith.cmpf oeq, %select_n3A_339, %select_n3A_365 : vector<256x128xf32>
    %lt3A_373 = arith.cmpi slt, %add3A_370, %select_n3A_366 : vector<256x128xi32>
    %and3A_374 = arith.andi %eq3A_372, %lt3A_373 : vector<256x128xi1>
    %or3A_375 = arith.ori %lt3A_371, %and3A_374 : vector<256x128xi1>
    %select_n3A_376 = arith.select %or3A_375, %select_n3A_339, %select_n3A_365 : vector<256x128xi1>, vector<256x128xf32>
    %select_n3A_377 = arith.select %or3A_375, %add3A_370, %select_n3A_366 : vector<256x128xi1>, vector<256x128xi32>
    %mul3A_378 = arith.constant 128 : i32
    %mul3A_379 = vector.broadcast %mul3A_378 : i32 to vector<256x128xi32>
    %mul3A_380 = arith.muli %select_n3A_355, %mul3A_379 : vector<256x128xi32>
    %add3A_381 = arith.addi %mul3A_380, %iota3A : vector<256x128xi32>
    %lt3A_382 = arith.cmpf olt, %select_n3A_352, %select_n3A_376 : vector<256x128xf32>
    %eq3A_383 = arith.cmpf oeq, %select_n3A_352, %select_n3A_376 : vector<256x128xf32>
    %lt3A_384 = arith.cmpi slt, %add3A_381, %select_n3A_377 : vector<256x128xi32>
    %and3A_385 = arith.andi %eq3A_383, %lt3A_384 : vector<256x128xi1>
    %or3A_386 = arith.ori %lt3A_382, %and3A_385 : vector<256x128xi1>
    %select_n3A_387 = arith.select %or3A_386, %select_n3A_352, %select_n3A_376 : vector<256x128xi1>, vector<256x128xf32>
    %select_n3A_388 = arith.select %or3A_386, %add3A_381, %select_n3A_377 : vector<256x128xi1>, vector<256x128xi32>
    %reduce_min3A = arith.constant dense<0x7F800000> : vector<256xf32>
    %reduce_min3A_389 = vector.multi_reduction <minimumf>, %select_n3A_387, %reduce_min3A [1] : vector<256x128xf32> to vector<256xf32>
    %broadcast_in_dim3A_390 = vector.shape_cast %reduce_min3A_389 : vector<256xf32> to vector<256x1xf32>
    %le3A = vector.broadcast %broadcast_in_dim3A_390 : vector<256x1xf32> to vector<256x128xf32>
    %le3A_391 = arith.cmpf ole, %select_n3A_387, %le3A : vector<256x128xf32>
    %jit3A_392 = arith.constant 9216 : i32
    %broadcast_in_dim3A_393 = vector.broadcast %jit3A_392 : i32 to vector<256x128xi32>
    %select_n3A_394 = arith.select %le3A_391, %select_n3A_388, %broadcast_in_dim3A_393 : vector<256x128xi1>, vector<256x128xi32>
    %reduce_min3A_395 = arith.constant dense<2147483647> : vector<256xi32>
    %reduce_min3A_396 = vector.multi_reduction <minsi>, %select_n3A_394, %reduce_min3A_395 [1] : vector<256x128xi32> to vector<256xi32>
    %broadcast_in_dim3A_397 = vector.shape_cast %reduce_min3A_396 : vector<256xi32> to vector<256x1xi32>
    %add3A_398 = arith.constant 0 : i32
    %add3A_399 = vector.broadcast %add3A_398 : i32 to vector<256x1xi32>
    %add3A_400 = arith.addi %broadcast_in_dim3A_397, %add3A_399 : vector<256x1xi32>
    %convert_element_type3A = arith.truncf %broadcast_in_dim3A_390 : vector<256x1xf32> to vector<256x1xbf16>
    %broadcast_in_dim3A_401 = arith.constant 0x7F800000 : f32
    %broadcast_in_dim3A_402 = vector.broadcast %broadcast_in_dim3A_401 : f32 to vector<256x128xf32>
    %broadcast_in_dim3A_403 = arith.constant 0x7F800000 : f32
    %broadcast_in_dim3A_404 = vector.broadcast %broadcast_in_dim3A_403 : f32 to vector<256x128xf32>
    %broadcast_in_dim3A_405 = arith.constant 0x7F800000 : f32
    %broadcast_in_dim3A_406 = vector.broadcast %broadcast_in_dim3A_405 : f32 to vector<256x128xf32>
    %broadcast_in_dim3A_407 = arith.constant 0x7F800000 : f32
    %broadcast_in_dim3A_408 = vector.broadcast %broadcast_in_dim3A_407 : f32 to vector<256x128xf32>
    %broadcast_in_dim3A_409 = arith.constant 0 : i32
    %broadcast_in_dim3A_410 = vector.broadcast %broadcast_in_dim3A_409 : i32 to vector<256x128xi32>
    %broadcast_in_dim3A_411 = arith.constant 0 : i32
    %broadcast_in_dim3A_412 = vector.broadcast %broadcast_in_dim3A_411 : i32 to vector<256x128xi32>
    %broadcast_in_dim3A_413 = arith.constant 0 : i32
    %broadcast_in_dim3A_414 = vector.broadcast %broadcast_in_dim3A_413 : i32 to vector<256x128xi32>
    %broadcast_in_dim3A_415 = arith.constant 0 : i32
    %broadcast_in_dim3A_416 = vector.broadcast %broadcast_in_dim3A_415 : i32 to vector<256x128xi32>
    %get3A_417 = arith.constant 3072 : index
    %get3A_418 = arith.constant 0 : index
    %get3A_419 = vector.load %arg3[%get3A_417, %get3A_418] : memref<9216x256xbf16, #tpu.memory_space<vmem>>, vector<512x256xbf16>
    %dot_general3A_420 = arith.constant dense<0.000000e+00> : vector<256x512xf32>
    %dot_general3A_421 = tpu.matmul %get3A_1, %get3A_419, %dot_general3A_420 {dimension_numbers = #tpu.dot_dimension_numbers<[1], [1], [0], [0], [0, 0, 1, 0], [], []>, transpose_lhs_hint = false} : vector<256x256xbf16>, vector<512x256xbf16>, vector<256x512xf32> -> vector<256x512xf32>
    %get3A_422 = arith.constant 0 : index
    %get3A_423 = arith.constant 3072 : index
    %get3A_424 = vector.load %arg4[%get3A_422, %get3A_423] : memref<1x9216xf32, #tpu.memory_space<vmem>>, vector<1x128xf32>
    %slice3A_425 = vector.extract_strided_slice %dot_general3A_421 {offsets = [0, 0], sizes = [256, 128], strides = [1, 1]} : vector<256x512xf32> to vector<256x128xf32>
    %add3A_426 = vector.broadcast %get3A_4 : vector<256x1xf32> to vector<256x128xf32>
    %add3A_427 = arith.addf %add3A_426, %slice3A_425 : vector<256x128xf32>
    %add3A_428 = vector.broadcast %get3A_424 : vector<1x128xf32> to vector<256x128xf32>
    %add3A_429 = arith.addf %add3A_427, %add3A_428 : vector<256x128xf32>
    %lt3A_430 = arith.cmpf olt, %add3A_429, %broadcast_in_dim3A_402 : vector<256x128xf32>
    %select_n3A_431 = arith.select %lt3A_430, %add3A_429, %broadcast_in_dim3A_402 : vector<256x128xi1>, vector<256x128xf32>
    %jit3A_432 = arith.constant 0 : i32
    %broadcast_in_dim3A_433 = vector.broadcast %jit3A_432 : i32 to vector<256x128xi32>
    %select_n3A_434 = arith.select %lt3A_430, %broadcast_in_dim3A_433, %broadcast_in_dim3A_410 : vector<256x128xi1>, vector<256x128xi32>
    %get3A_435 = arith.constant 0 : index
    %get3A_436 = arith.constant 3200 : index
    %get3A_437 = vector.load %arg4[%get3A_435, %get3A_436] : memref<1x9216xf32, #tpu.memory_space<vmem>>, vector<1x128xf32>
    %slice3A_438 = vector.extract_strided_slice %dot_general3A_421 {offsets = [0, 128], sizes = [256, 128], strides = [1, 1]} : vector<256x512xf32> to vector<256x128xf32>
    %add3A_439 = vector.broadcast %get3A_4 : vector<256x1xf32> to vector<256x128xf32>
    %add3A_440 = arith.addf %add3A_439, %slice3A_438 : vector<256x128xf32>
    %add3A_441 = vector.broadcast %get3A_437 : vector<1x128xf32> to vector<256x128xf32>
    %add3A_442 = arith.addf %add3A_440, %add3A_441 : vector<256x128xf32>
    %lt3A_443 = arith.cmpf olt, %add3A_442, %broadcast_in_dim3A_404 : vector<256x128xf32>
    %select_n3A_444 = arith.select %lt3A_443, %add3A_442, %broadcast_in_dim3A_404 : vector<256x128xi1>, vector<256x128xf32>
    %jit3A_445 = arith.constant 1 : i32
    %broadcast_in_dim3A_446 = vector.broadcast %jit3A_445 : i32 to vector<256x128xi32>
    %select_n3A_447 = arith.select %lt3A_443, %broadcast_in_dim3A_446, %broadcast_in_dim3A_412 : vector<256x128xi1>, vector<256x128xi32>
    %get3A_448 = arith.constant 0 : index
    %get3A_449 = arith.constant 3328 : index
    %get3A_450 = vector.load %arg4[%get3A_448, %get3A_449] : memref<1x9216xf32, #tpu.memory_space<vmem>>, vector<1x128xf32>
    %slice3A_451 = vector.extract_strided_slice %dot_general3A_421 {offsets = [0, 256], sizes = [256, 128], strides = [1, 1]} : vector<256x512xf32> to vector<256x128xf32>
    %add3A_452 = vector.broadcast %get3A_4 : vector<256x1xf32> to vector<256x128xf32>
    %add3A_453 = arith.addf %add3A_452, %slice3A_451 : vector<256x128xf32>
    %add3A_454 = vector.broadcast %get3A_450 : vector<1x128xf32> to vector<256x128xf32>
    %add3A_455 = arith.addf %add3A_453, %add3A_454 : vector<256x128xf32>
    %lt3A_456 = arith.cmpf olt, %add3A_455, %broadcast_in_dim3A_406 : vector<256x128xf32>
    %select_n3A_457 = arith.select %lt3A_456, %add3A_455, %broadcast_in_dim3A_406 : vector<256x128xi1>, vector<256x128xf32>
    %jit3A_458 = arith.constant 2 : i32
    %broadcast_in_dim3A_459 = vector.broadcast %jit3A_458 : i32 to vector<256x128xi32>
    %select_n3A_460 = arith.select %lt3A_456, %broadcast_in_dim3A_459, %broadcast_in_dim3A_414 : vector<256x128xi1>, vector<256x128xi32>
    %get3A_461 = arith.constant 0 : index
    %get3A_462 = arith.constant 3456 : index
    %get3A_463 = vector.load %arg4[%get3A_461, %get3A_462] : memref<1x9216xf32, #tpu.memory_space<vmem>>, vector<1x128xf32>
    %slice3A_464 = vector.extract_strided_slice %dot_general3A_421 {offsets = [0, 384], sizes = [256, 128], strides = [1, 1]} : vector<256x512xf32> to vector<256x128xf32>
    %add3A_465 = vector.broadcast %get3A_4 : vector<256x1xf32> to vector<256x128xf32>
    %add3A_466 = arith.addf %add3A_465, %slice3A_464 : vector<256x128xf32>
    %add3A_467 = vector.broadcast %get3A_463 : vector<1x128xf32> to vector<256x128xf32>
    %add3A_468 = arith.addf %add3A_466, %add3A_467 : vector<256x128xf32>
    %lt3A_469 = arith.cmpf olt, %add3A_468, %broadcast_in_dim3A_408 : vector<256x128xf32>
    %select_n3A_470 = arith.select %lt3A_469, %add3A_468, %broadcast_in_dim3A_408 : vector<256x128xi1>, vector<256x128xf32>
    %jit3A_471 = arith.constant 3 : i32
    %broadcast_in_dim3A_472 = vector.broadcast %jit3A_471 : i32 to vector<256x128xi32>
    %select_n3A_473 = arith.select %lt3A_469, %broadcast_in_dim3A_472, %broadcast_in_dim3A_416 : vector<256x128xi1>, vector<256x128xi32>
    %get3A_474 = arith.constant 3584 : index
    %get3A_475 = arith.constant 0 : index
    %get3A_476 = vector.load %arg3[%get3A_474, %get3A_475] : memref<9216x256xbf16, #tpu.memory_space<vmem>>, vector<512x256xbf16>
    %dot_general3A_477 = arith.constant dense<0.000000e+00> : vector<256x512xf32>
    %dot_general3A_478 = tpu.matmul %get3A_1, %get3A_476, %dot_general3A_477 {dimension_numbers = #tpu.dot_dimension_numbers<[1], [1], [0], [0], [0, 0, 1, 0], [], []>, transpose_lhs_hint = false} : vector<256x256xbf16>, vector<512x256xbf16>, vector<256x512xf32> -> vector<256x512xf32>
    %get3A_479 = arith.constant 0 : index
    %get3A_480 = arith.constant 3584 : index
    %get3A_481 = vector.load %arg4[%get3A_479, %get3A_480] : memref<1x9216xf32, #tpu.memory_space<vmem>>, vector<1x128xf32>
    %slice3A_482 = vector.extract_strided_slice %dot_general3A_478 {offsets = [0, 0], sizes = [256, 128], strides = [1, 1]} : vector<256x512xf32> to vector<256x128xf32>
    %add3A_483 = vector.broadcast %get3A_4 : vector<256x1xf32> to vector<256x128xf32>
    %add3A_484 = arith.addf %add3A_483, %slice3A_482 : vector<256x128xf32>
    %add3A_485 = vector.broadcast %get3A_481 : vector<1x128xf32> to vector<256x128xf32>
    %add3A_486 = arith.addf %add3A_484, %add3A_485 : vector<256x128xf32>
    %lt3A_487 = arith.cmpf olt, %add3A_486, %select_n3A_431 : vector<256x128xf32>
    %select_n3A_488 = arith.select %lt3A_487, %add3A_486, %select_n3A_431 : vector<256x128xi1>, vector<256x128xf32>
    %jit3A_489 = arith.constant 4 : i32
    %broadcast_in_dim3A_490 = vector.broadcast %jit3A_489 : i32 to vector<256x128xi32>
    %select_n3A_491 = arith.select %lt3A_487, %broadcast_in_dim3A_490, %select_n3A_434 : vector<256x128xi1>, vector<256x128xi32>
    %get3A_492 = arith.constant 0 : index
    %get3A_493 = arith.constant 3712 : index
    %get3A_494 = vector.load %arg4[%get3A_492, %get3A_493] : memref<1x9216xf32, #tpu.memory_space<vmem>>, vector<1x128xf32>
    %slice3A_495 = vector.extract_strided_slice %dot_general3A_478 {offsets = [0, 128], sizes = [256, 128], strides = [1, 1]} : vector<256x512xf32> to vector<256x128xf32>
    %add3A_496 = vector.broadcast %get3A_4 : vector<256x1xf32> to vector<256x128xf32>
    %add3A_497 = arith.addf %add3A_496, %slice3A_495 : vector<256x128xf32>
    %add3A_498 = vector.broadcast %get3A_494 : vector<1x128xf32> to vector<256x128xf32>
    %add3A_499 = arith.addf %add3A_497, %add3A_498 : vector<256x128xf32>
    %lt3A_500 = arith.cmpf olt, %add3A_499, %select_n3A_444 : vector<256x128xf32>
    %select_n3A_501 = arith.select %lt3A_500, %add3A_499, %select_n3A_444 : vector<256x128xi1>, vector<256x128xf32>
    %jit3A_502 = arith.constant 5 : i32
    %broadcast_in_dim3A_503 = vector.broadcast %jit3A_502 : i32 to vector<256x128xi32>
    %select_n3A_504 = arith.select %lt3A_500, %broadcast_in_dim3A_503, %select_n3A_447 : vector<256x128xi1>, vector<256x128xi32>
    %get3A_505 = arith.constant 0 : index
    %get3A_506 = arith.constant 3840 : index
    %get3A_507 = vector.load %arg4[%get3A_505, %get3A_506] : memref<1x9216xf32, #tpu.memory_space<vmem>>, vector<1x128xf32>
    %slice3A_508 = vector.extract_strided_slice %dot_general3A_478 {offsets = [0, 256], sizes = [256, 128], strides = [1, 1]} : vector<256x512xf32> to vector<256x128xf32>
    %add3A_509 = vector.broadcast %get3A_4 : vector<256x1xf32> to vector<256x128xf32>
    %add3A_510 = arith.addf %add3A_509, %slice3A_508 : vector<256x128xf32>
    %add3A_511 = vector.broadcast %get3A_507 : vector<1x128xf32> to vector<256x128xf32>
    %add3A_512 = arith.addf %add3A_510, %add3A_511 : vector<256x128xf32>
    %lt3A_513 = arith.cmpf olt, %add3A_512, %select_n3A_457 : vector<256x128xf32>
    %select_n3A_514 = arith.select %lt3A_513, %add3A_512, %select_n3A_457 : vector<256x128xi1>, vector<256x128xf32>
    %jit3A_515 = arith.constant 6 : i32
    %broadcast_in_dim3A_516 = vector.broadcast %jit3A_515 : i32 to vector<256x128xi32>
    %select_n3A_517 = arith.select %lt3A_513, %broadcast_in_dim3A_516, %select_n3A_460 : vector<256x128xi1>, vector<256x128xi32>
    %get3A_518 = arith.constant 0 : index
    %get3A_519 = arith.constant 3968 : index
    %get3A_520 = vector.load %arg4[%get3A_518, %get3A_519] : memref<1x9216xf32, #tpu.memory_space<vmem>>, vector<1x128xf32>
    %slice3A_521 = vector.extract_strided_slice %dot_general3A_478 {offsets = [0, 384], sizes = [256, 128], strides = [1, 1]} : vector<256x512xf32> to vector<256x128xf32>
    %add3A_522 = vector.broadcast %get3A_4 : vector<256x1xf32> to vector<256x128xf32>
    %add3A_523 = arith.addf %add3A_522, %slice3A_521 : vector<256x128xf32>
    %add3A_524 = vector.broadcast %get3A_520 : vector<1x128xf32> to vector<256x128xf32>
    %add3A_525 = arith.addf %add3A_523, %add3A_524 : vector<256x128xf32>
    %lt3A_526 = arith.cmpf olt, %add3A_525, %select_n3A_470 : vector<256x128xf32>
    %select_n3A_527 = arith.select %lt3A_526, %add3A_525, %select_n3A_470 : vector<256x128xi1>, vector<256x128xf32>
    %jit3A_528 = arith.constant 7 : i32
    %broadcast_in_dim3A_529 = vector.broadcast %jit3A_528 : i32 to vector<256x128xi32>
    %select_n3A_530 = arith.select %lt3A_526, %broadcast_in_dim3A_529, %select_n3A_473 : vector<256x128xi1>, vector<256x128xi32>
    %get3A_531 = arith.constant 4096 : index
    %get3A_532 = arith.constant 0 : index
    %get3A_533 = vector.load %arg3[%get3A_531, %get3A_532] : memref<9216x256xbf16, #tpu.memory_space<vmem>>, vector<512x256xbf16>
    %dot_general3A_534 = arith.constant dense<0.000000e+00> : vector<256x512xf32>
    %dot_general3A_535 = tpu.matmul %get3A_1, %get3A_533, %dot_general3A_534 {dimension_numbers = #tpu.dot_dimension_numbers<[1], [1], [0], [0], [0, 0, 1, 0], [], []>, transpose_lhs_hint = false} : vector<256x256xbf16>, vector<512x256xbf16>, vector<256x512xf32> -> vector<256x512xf32>
    %get3A_536 = arith.constant 0 : index
    %get3A_537 = arith.constant 4096 : index
    %get3A_538 = vector.load %arg4[%get3A_536, %get3A_537] : memref<1x9216xf32, #tpu.memory_space<vmem>>, vector<1x128xf32>
    %slice3A_539 = vector.extract_strided_slice %dot_general3A_535 {offsets = [0, 0], sizes = [256, 128], strides = [1, 1]} : vector<256x512xf32> to vector<256x128xf32>
    %add3A_540 = vector.broadcast %get3A_4 : vector<256x1xf32> to vector<256x128xf32>
    %add3A_541 = arith.addf %add3A_540, %slice3A_539 : vector<256x128xf32>
    %add3A_542 = vector.broadcast %get3A_538 : vector<1x128xf32> to vector<256x128xf32>
    %add3A_543 = arith.addf %add3A_541, %add3A_542 : vector<256x128xf32>
    %lt3A_544 = arith.cmpf olt, %add3A_543, %select_n3A_488 : vector<256x128xf32>
    %select_n3A_545 = arith.select %lt3A_544, %add3A_543, %select_n3A_488 : vector<256x128xi1>, vector<256x128xf32>
    %jit3A_546 = arith.constant 8 : i32
    %broadcast_in_dim3A_547 = vector.broadcast %jit3A_546 : i32 to vector<256x128xi32>
    %select_n3A_548 = arith.select %lt3A_544, %broadcast_in_dim3A_547, %select_n3A_491 : vector<256x128xi1>, vector<256x128xi32>
    %get3A_549 = arith.constant 0 : index
    %get3A_550 = arith.constant 4224 : index
    %get3A_551 = vector.load %arg4[%get3A_549, %get3A_550] : memref<1x9216xf32, #tpu.memory_space<vmem>>, vector<1x128xf32>
    %slice3A_552 = vector.extract_strided_slice %dot_general3A_535 {offsets = [0, 128], sizes = [256, 128], strides = [1, 1]} : vector<256x512xf32> to vector<256x128xf32>
    %add3A_553 = vector.broadcast %get3A_4 : vector<256x1xf32> to vector<256x128xf32>
    %add3A_554 = arith.addf %add3A_553, %slice3A_552 : vector<256x128xf32>
    %add3A_555 = vector.broadcast %get3A_551 : vector<1x128xf32> to vector<256x128xf32>
    %add3A_556 = arith.addf %add3A_554, %add3A_555 : vector<256x128xf32>
    %lt3A_557 = arith.cmpf olt, %add3A_556, %select_n3A_501 : vector<256x128xf32>
    %select_n3A_558 = arith.select %lt3A_557, %add3A_556, %select_n3A_501 : vector<256x128xi1>, vector<256x128xf32>
    %jit3A_559 = arith.constant 9 : i32
    %broadcast_in_dim3A_560 = vector.broadcast %jit3A_559 : i32 to vector<256x128xi32>
    %select_n3A_561 = arith.select %lt3A_557, %broadcast_in_dim3A_560, %select_n3A_504 : vector<256x128xi1>, vector<256x128xi32>
    %get3A_562 = arith.constant 0 : index
    %get3A_563 = arith.constant 4352 : index
    %get3A_564 = vector.load %arg4[%get3A_562, %get3A_563] : memref<1x9216xf32, #tpu.memory_space<vmem>>, vector<1x128xf32>
    %slice3A_565 = vector.extract_strided_slice %dot_general3A_535 {offsets = [0, 256], sizes = [256, 128], strides = [1, 1]} : vector<256x512xf32> to vector<256x128xf32>
    %add3A_566 = vector.broadcast %get3A_4 : vector<256x1xf32> to vector<256x128xf32>
    %add3A_567 = arith.addf %add3A_566, %slice3A_565 : vector<256x128xf32>
    %add3A_568 = vector.broadcast %get3A_564 : vector<1x128xf32> to vector<256x128xf32>
    %add3A_569 = arith.addf %add3A_567, %add3A_568 : vector<256x128xf32>
    %lt3A_570 = arith.cmpf olt, %add3A_569, %select_n3A_514 : vector<256x128xf32>
    %select_n3A_571 = arith.select %lt3A_570, %add3A_569, %select_n3A_514 : vector<256x128xi1>, vector<256x128xf32>
    %jit3A_572 = arith.constant 10 : i32
    %broadcast_in_dim3A_573 = vector.broadcast %jit3A_572 : i32 to vector<256x128xi32>
    %select_n3A_574 = arith.select %lt3A_570, %broadcast_in_dim3A_573, %select_n3A_517 : vector<256x128xi1>, vector<256x128xi32>
    %get3A_575 = arith.constant 0 : index
    %get3A_576 = arith.constant 4480 : index
    %get3A_577 = vector.load %arg4[%get3A_575, %get3A_576] : memref<1x9216xf32, #tpu.memory_space<vmem>>, vector<1x128xf32>
    %slice3A_578 = vector.extract_strided_slice %dot_general3A_535 {offsets = [0, 384], sizes = [256, 128], strides = [1, 1]} : vector<256x512xf32> to vector<256x128xf32>
    %add3A_579 = vector.broadcast %get3A_4 : vector<256x1xf32> to vector<256x128xf32>
    %add3A_580 = arith.addf %add3A_579, %slice3A_578 : vector<256x128xf32>
    %add3A_581 = vector.broadcast %get3A_577 : vector<1x128xf32> to vector<256x128xf32>
    %add3A_582 = arith.addf %add3A_580, %add3A_581 : vector<256x128xf32>
    %lt3A_583 = arith.cmpf olt, %add3A_582, %select_n3A_527 : vector<256x128xf32>
    %select_n3A_584 = arith.select %lt3A_583, %add3A_582, %select_n3A_527 : vector<256x128xi1>, vector<256x128xf32>
    %jit3A_585 = arith.constant 11 : i32
    %broadcast_in_dim3A_586 = vector.broadcast %jit3A_585 : i32 to vector<256x128xi32>
    %select_n3A_587 = arith.select %lt3A_583, %broadcast_in_dim3A_586, %select_n3A_530 : vector<256x128xi1>, vector<256x128xi32>
    %get3A_588 = arith.constant 4608 : index
    %get3A_589 = arith.constant 0 : index
    %get3A_590 = vector.load %arg3[%get3A_588, %get3A_589] : memref<9216x256xbf16, #tpu.memory_space<vmem>>, vector<512x256xbf16>
    %dot_general3A_591 = arith.constant dense<0.000000e+00> : vector<256x512xf32>
    %dot_general3A_592 = tpu.matmul %get3A_1, %get3A_590, %dot_general3A_591 {dimension_numbers = #tpu.dot_dimension_numbers<[1], [1], [0], [0], [0, 0, 1, 0], [], []>, transpose_lhs_hint = false} : vector<256x256xbf16>, vector<512x256xbf16>, vector<256x512xf32> -> vector<256x512xf32>
    %get3A_593 = arith.constant 0 : index
    %get3A_594 = arith.constant 4608 : index
    %get3A_595 = vector.load %arg4[%get3A_593, %get3A_594] : memref<1x9216xf32, #tpu.memory_space<vmem>>, vector<1x128xf32>
    %slice3A_596 = vector.extract_strided_slice %dot_general3A_592 {offsets = [0, 0], sizes = [256, 128], strides = [1, 1]} : vector<256x512xf32> to vector<256x128xf32>
    %add3A_597 = vector.broadcast %get3A_4 : vector<256x1xf32> to vector<256x128xf32>
    %add3A_598 = arith.addf %add3A_597, %slice3A_596 : vector<256x128xf32>
    %add3A_599 = vector.broadcast %get3A_595 : vector<1x128xf32> to vector<256x128xf32>
    %add3A_600 = arith.addf %add3A_598, %add3A_599 : vector<256x128xf32>
    %lt3A_601 = arith.cmpf olt, %add3A_600, %select_n3A_545 : vector<256x128xf32>
    %select_n3A_602 = arith.select %lt3A_601, %add3A_600, %select_n3A_545 : vector<256x128xi1>, vector<256x128xf32>
    %jit3A_603 = arith.constant 12 : i32
    %broadcast_in_dim3A_604 = vector.broadcast %jit3A_603 : i32 to vector<256x128xi32>
    %select_n3A_605 = arith.select %lt3A_601, %broadcast_in_dim3A_604, %select_n3A_548 : vector<256x128xi1>, vector<256x128xi32>
    %get3A_606 = arith.constant 0 : index
    %get3A_607 = arith.constant 4736 : index
    %get3A_608 = vector.load %arg4[%get3A_606, %get3A_607] : memref<1x9216xf32, #tpu.memory_space<vmem>>, vector<1x128xf32>
    %slice3A_609 = vector.extract_strided_slice %dot_general3A_592 {offsets = [0, 128], sizes = [256, 128], strides = [1, 1]} : vector<256x512xf32> to vector<256x128xf32>
    %add3A_610 = vector.broadcast %get3A_4 : vector<256x1xf32> to vector<256x128xf32>
    %add3A_611 = arith.addf %add3A_610, %slice3A_609 : vector<256x128xf32>
    %add3A_612 = vector.broadcast %get3A_608 : vector<1x128xf32> to vector<256x128xf32>
    %add3A_613 = arith.addf %add3A_611, %add3A_612 : vector<256x128xf32>
    %lt3A_614 = arith.cmpf olt, %add3A_613, %select_n3A_558 : vector<256x128xf32>
    %select_n3A_615 = arith.select %lt3A_614, %add3A_613, %select_n3A_558 : vector<256x128xi1>, vector<256x128xf32>
    %jit3A_616 = arith.constant 13 : i32
    %broadcast_in_dim3A_617 = vector.broadcast %jit3A_616 : i32 to vector<256x128xi32>
    %select_n3A_618 = arith.select %lt3A_614, %broadcast_in_dim3A_617, %select_n3A_561 : vector<256x128xi1>, vector<256x128xi32>
    %get3A_619 = arith.constant 0 : index
    %get3A_620 = arith.constant 4864 : index
    %get3A_621 = vector.load %arg4[%get3A_619, %get3A_620] : memref<1x9216xf32, #tpu.memory_space<vmem>>, vector<1x128xf32>
    %slice3A_622 = vector.extract_strided_slice %dot_general3A_592 {offsets = [0, 256], sizes = [256, 128], strides = [1, 1]} : vector<256x512xf32> to vector<256x128xf32>
    %add3A_623 = vector.broadcast %get3A_4 : vector<256x1xf32> to vector<256x128xf32>
    %add3A_624 = arith.addf %add3A_623, %slice3A_622 : vector<256x128xf32>
    %add3A_625 = vector.broadcast %get3A_621 : vector<1x128xf32> to vector<256x128xf32>
    %add3A_626 = arith.addf %add3A_624, %add3A_625 : vector<256x128xf32>
    %lt3A_627 = arith.cmpf olt, %add3A_626, %select_n3A_571 : vector<256x128xf32>
    %select_n3A_628 = arith.select %lt3A_627, %add3A_626, %select_n3A_571 : vector<256x128xi1>, vector<256x128xf32>
    %jit3A_629 = arith.constant 14 : i32
    %broadcast_in_dim3A_630 = vector.broadcast %jit3A_629 : i32 to vector<256x128xi32>
    %select_n3A_631 = arith.select %lt3A_627, %broadcast_in_dim3A_630, %select_n3A_574 : vector<256x128xi1>, vector<256x128xi32>
    %get3A_632 = arith.constant 0 : index
    %get3A_633 = arith.constant 4992 : index
    %get3A_634 = vector.load %arg4[%get3A_632, %get3A_633] : memref<1x9216xf32, #tpu.memory_space<vmem>>, vector<1x128xf32>
    %slice3A_635 = vector.extract_strided_slice %dot_general3A_592 {offsets = [0, 384], sizes = [256, 128], strides = [1, 1]} : vector<256x512xf32> to vector<256x128xf32>
    %add3A_636 = vector.broadcast %get3A_4 : vector<256x1xf32> to vector<256x128xf32>
    %add3A_637 = arith.addf %add3A_636, %slice3A_635 : vector<256x128xf32>
    %add3A_638 = vector.broadcast %get3A_634 : vector<1x128xf32> to vector<256x128xf32>
    %add3A_639 = arith.addf %add3A_637, %add3A_638 : vector<256x128xf32>
    %lt3A_640 = arith.cmpf olt, %add3A_639, %select_n3A_584 : vector<256x128xf32>
    %select_n3A_641 = arith.select %lt3A_640, %add3A_639, %select_n3A_584 : vector<256x128xi1>, vector<256x128xf32>
    %jit3A_642 = arith.constant 15 : i32
    %broadcast_in_dim3A_643 = vector.broadcast %jit3A_642 : i32 to vector<256x128xi32>
    %select_n3A_644 = arith.select %lt3A_640, %broadcast_in_dim3A_643, %select_n3A_587 : vector<256x128xi1>, vector<256x128xi32>
    %get3A_645 = arith.constant 5120 : index
    %get3A_646 = arith.constant 0 : index
    %get3A_647 = vector.load %arg3[%get3A_645, %get3A_646] : memref<9216x256xbf16, #tpu.memory_space<vmem>>, vector<512x256xbf16>
    %dot_general3A_648 = arith.constant dense<0.000000e+00> : vector<256x512xf32>
    %dot_general3A_649 = tpu.matmul %get3A_1, %get3A_647, %dot_general3A_648 {dimension_numbers = #tpu.dot_dimension_numbers<[1], [1], [0], [0], [0, 0, 1, 0], [], []>, transpose_lhs_hint = false} : vector<256x256xbf16>, vector<512x256xbf16>, vector<256x512xf32> -> vector<256x512xf32>
    %get3A_650 = arith.constant 0 : index
    %get3A_651 = arith.constant 5120 : index
    %get3A_652 = vector.load %arg4[%get3A_650, %get3A_651] : memref<1x9216xf32, #tpu.memory_space<vmem>>, vector<1x128xf32>
    %slice3A_653 = vector.extract_strided_slice %dot_general3A_649 {offsets = [0, 0], sizes = [256, 128], strides = [1, 1]} : vector<256x512xf32> to vector<256x128xf32>
    %add3A_654 = vector.broadcast %get3A_4 : vector<256x1xf32> to vector<256x128xf32>
    %add3A_655 = arith.addf %add3A_654, %slice3A_653 : vector<256x128xf32>
    %add3A_656 = vector.broadcast %get3A_652 : vector<1x128xf32> to vector<256x128xf32>
    %add3A_657 = arith.addf %add3A_655, %add3A_656 : vector<256x128xf32>
    %lt3A_658 = arith.cmpf olt, %add3A_657, %select_n3A_602 : vector<256x128xf32>
    %select_n3A_659 = arith.select %lt3A_658, %add3A_657, %select_n3A_602 : vector<256x128xi1>, vector<256x128xf32>
    %jit3A_660 = arith.constant 16 : i32
    %broadcast_in_dim3A_661 = vector.broadcast %jit3A_660 : i32 to vector<256x128xi32>
    %select_n3A_662 = arith.select %lt3A_658, %broadcast_in_dim3A_661, %select_n3A_605 : vector<256x128xi1>, vector<256x128xi32>
    %get3A_663 = arith.constant 0 : index
    %get3A_664 = arith.constant 5248 : index
    %get3A_665 = vector.load %arg4[%get3A_663, %get3A_664] : memref<1x9216xf32, #tpu.memory_space<vmem>>, vector<1x128xf32>
    %slice3A_666 = vector.extract_strided_slice %dot_general3A_649 {offsets = [0, 128], sizes = [256, 128], strides = [1, 1]} : vector<256x512xf32> to vector<256x128xf32>
    %add3A_667 = vector.broadcast %get3A_4 : vector<256x1xf32> to vector<256x128xf32>
    %add3A_668 = arith.addf %add3A_667, %slice3A_666 : vector<256x128xf32>
    %add3A_669 = vector.broadcast %get3A_665 : vector<1x128xf32> to vector<256x128xf32>
    %add3A_670 = arith.addf %add3A_668, %add3A_669 : vector<256x128xf32>
    %lt3A_671 = arith.cmpf olt, %add3A_670, %select_n3A_615 : vector<256x128xf32>
    %select_n3A_672 = arith.select %lt3A_671, %add3A_670, %select_n3A_615 : vector<256x128xi1>, vector<256x128xf32>
    %jit3A_673 = arith.constant 17 : i32
    %broadcast_in_dim3A_674 = vector.broadcast %jit3A_673 : i32 to vector<256x128xi32>
    %select_n3A_675 = arith.select %lt3A_671, %broadcast_in_dim3A_674, %select_n3A_618 : vector<256x128xi1>, vector<256x128xi32>
    %get3A_676 = arith.constant 0 : index
    %get3A_677 = arith.constant 5376 : index
    %get3A_678 = vector.load %arg4[%get3A_676, %get3A_677] : memref<1x9216xf32, #tpu.memory_space<vmem>>, vector<1x128xf32>
    %slice3A_679 = vector.extract_strided_slice %dot_general3A_649 {offsets = [0, 256], sizes = [256, 128], strides = [1, 1]} : vector<256x512xf32> to vector<256x128xf32>
    %add3A_680 = vector.broadcast %get3A_4 : vector<256x1xf32> to vector<256x128xf32>
    %add3A_681 = arith.addf %add3A_680, %slice3A_679 : vector<256x128xf32>
    %add3A_682 = vector.broadcast %get3A_678 : vector<1x128xf32> to vector<256x128xf32>
    %add3A_683 = arith.addf %add3A_681, %add3A_682 : vector<256x128xf32>
    %lt3A_684 = arith.cmpf olt, %add3A_683, %select_n3A_628 : vector<256x128xf32>
    %select_n3A_685 = arith.select %lt3A_684, %add3A_683, %select_n3A_628 : vector<256x128xi1>, vector<256x128xf32>
    %jit3A_686 = arith.constant 18 : i32
    %broadcast_in_dim3A_687 = vector.broadcast %jit3A_686 : i32 to vector<256x128xi32>
    %select_n3A_688 = arith.select %lt3A_684, %broadcast_in_dim3A_687, %select_n3A_631 : vector<256x128xi1>, vector<256x128xi32>
    %get3A_689 = arith.constant 0 : index
    %get3A_690 = arith.constant 5504 : index
    %get3A_691 = vector.load %arg4[%get3A_689, %get3A_690] : memref<1x9216xf32, #tpu.memory_space<vmem>>, vector<1x128xf32>
    %slice3A_692 = vector.extract_strided_slice %dot_general3A_649 {offsets = [0, 384], sizes = [256, 128], strides = [1, 1]} : vector<256x512xf32> to vector<256x128xf32>
    %add3A_693 = vector.broadcast %get3A_4 : vector<256x1xf32> to vector<256x128xf32>
    %add3A_694 = arith.addf %add3A_693, %slice3A_692 : vector<256x128xf32>
    %add3A_695 = vector.broadcast %get3A_691 : vector<1x128xf32> to vector<256x128xf32>
    %add3A_696 = arith.addf %add3A_694, %add3A_695 : vector<256x128xf32>
    %lt3A_697 = arith.cmpf olt, %add3A_696, %select_n3A_641 : vector<256x128xf32>
    %select_n3A_698 = arith.select %lt3A_697, %add3A_696, %select_n3A_641 : vector<256x128xi1>, vector<256x128xf32>
    %jit3A_699 = arith.constant 19 : i32
    %broadcast_in_dim3A_700 = vector.broadcast %jit3A_699 : i32 to vector<256x128xi32>
    %select_n3A_701 = arith.select %lt3A_697, %broadcast_in_dim3A_700, %select_n3A_644 : vector<256x128xi1>, vector<256x128xi32>
    %get3A_702 = arith.constant 5632 : index
    %get3A_703 = arith.constant 0 : index
    %get3A_704 = vector.load %arg3[%get3A_702, %get3A_703] : memref<9216x256xbf16, #tpu.memory_space<vmem>>, vector<512x256xbf16>
    %dot_general3A_705 = arith.constant dense<0.000000e+00> : vector<256x512xf32>
    %dot_general3A_706 = tpu.matmul %get3A_1, %get3A_704, %dot_general3A_705 {dimension_numbers = #tpu.dot_dimension_numbers<[1], [1], [0], [0], [0, 0, 1, 0], [], []>, transpose_lhs_hint = false} : vector<256x256xbf16>, vector<512x256xbf16>, vector<256x512xf32> -> vector<256x512xf32>
    %get3A_707 = arith.constant 0 : index
    %get3A_708 = arith.constant 5632 : index
    %get3A_709 = vector.load %arg4[%get3A_707, %get3A_708] : memref<1x9216xf32, #tpu.memory_space<vmem>>, vector<1x128xf32>
    %slice3A_710 = vector.extract_strided_slice %dot_general3A_706 {offsets = [0, 0], sizes = [256, 128], strides = [1, 1]} : vector<256x512xf32> to vector<256x128xf32>
    %add3A_711 = vector.broadcast %get3A_4 : vector<256x1xf32> to vector<256x128xf32>
    %add3A_712 = arith.addf %add3A_711, %slice3A_710 : vector<256x128xf32>
    %add3A_713 = vector.broadcast %get3A_709 : vector<1x128xf32> to vector<256x128xf32>
    %add3A_714 = arith.addf %add3A_712, %add3A_713 : vector<256x128xf32>
    %lt3A_715 = arith.cmpf olt, %add3A_714, %select_n3A_659 : vector<256x128xf32>
    %select_n3A_716 = arith.select %lt3A_715, %add3A_714, %select_n3A_659 : vector<256x128xi1>, vector<256x128xf32>
    %jit3A_717 = arith.constant 20 : i32
    %broadcast_in_dim3A_718 = vector.broadcast %jit3A_717 : i32 to vector<256x128xi32>
    %select_n3A_719 = arith.select %lt3A_715, %broadcast_in_dim3A_718, %select_n3A_662 : vector<256x128xi1>, vector<256x128xi32>
    %get3A_720 = arith.constant 0 : index
    %get3A_721 = arith.constant 5760 : index
    %get3A_722 = vector.load %arg4[%get3A_720, %get3A_721] : memref<1x9216xf32, #tpu.memory_space<vmem>>, vector<1x128xf32>
    %slice3A_723 = vector.extract_strided_slice %dot_general3A_706 {offsets = [0, 128], sizes = [256, 128], strides = [1, 1]} : vector<256x512xf32> to vector<256x128xf32>
    %add3A_724 = vector.broadcast %get3A_4 : vector<256x1xf32> to vector<256x128xf32>
    %add3A_725 = arith.addf %add3A_724, %slice3A_723 : vector<256x128xf32>
    %add3A_726 = vector.broadcast %get3A_722 : vector<1x128xf32> to vector<256x128xf32>
    %add3A_727 = arith.addf %add3A_725, %add3A_726 : vector<256x128xf32>
    %lt3A_728 = arith.cmpf olt, %add3A_727, %select_n3A_672 : vector<256x128xf32>
    %select_n3A_729 = arith.select %lt3A_728, %add3A_727, %select_n3A_672 : vector<256x128xi1>, vector<256x128xf32>
    %jit3A_730 = arith.constant 21 : i32
    %broadcast_in_dim3A_731 = vector.broadcast %jit3A_730 : i32 to vector<256x128xi32>
    %select_n3A_732 = arith.select %lt3A_728, %broadcast_in_dim3A_731, %select_n3A_675 : vector<256x128xi1>, vector<256x128xi32>
    %get3A_733 = arith.constant 0 : index
    %get3A_734 = arith.constant 5888 : index
    %get3A_735 = vector.load %arg4[%get3A_733, %get3A_734] : memref<1x9216xf32, #tpu.memory_space<vmem>>, vector<1x128xf32>
    %slice3A_736 = vector.extract_strided_slice %dot_general3A_706 {offsets = [0, 256], sizes = [256, 128], strides = [1, 1]} : vector<256x512xf32> to vector<256x128xf32>
    %add3A_737 = vector.broadcast %get3A_4 : vector<256x1xf32> to vector<256x128xf32>
    %add3A_738 = arith.addf %add3A_737, %slice3A_736 : vector<256x128xf32>
    %add3A_739 = vector.broadcast %get3A_735 : vector<1x128xf32> to vector<256x128xf32>
    %add3A_740 = arith.addf %add3A_738, %add3A_739 : vector<256x128xf32>
    %lt3A_741 = arith.cmpf olt, %add3A_740, %select_n3A_685 : vector<256x128xf32>
    %select_n3A_742 = arith.select %lt3A_741, %add3A_740, %select_n3A_685 : vector<256x128xi1>, vector<256x128xf32>
    %jit3A_743 = arith.constant 22 : i32
    %broadcast_in_dim3A_744 = vector.broadcast %jit3A_743 : i32 to vector<256x128xi32>
    %select_n3A_745 = arith.select %lt3A_741, %broadcast_in_dim3A_744, %select_n3A_688 : vector<256x128xi1>, vector<256x128xi32>
    %get3A_746 = arith.constant 0 : index
    %get3A_747 = arith.constant 6016 : index
    %get3A_748 = vector.load %arg4[%get3A_746, %get3A_747] : memref<1x9216xf32, #tpu.memory_space<vmem>>, vector<1x128xf32>
    %slice3A_749 = vector.extract_strided_slice %dot_general3A_706 {offsets = [0, 384], sizes = [256, 128], strides = [1, 1]} : vector<256x512xf32> to vector<256x128xf32>
    %add3A_750 = vector.broadcast %get3A_4 : vector<256x1xf32> to vector<256x128xf32>
    %add3A_751 = arith.addf %add3A_750, %slice3A_749 : vector<256x128xf32>
    %add3A_752 = vector.broadcast %get3A_748 : vector<1x128xf32> to vector<256x128xf32>
    %add3A_753 = arith.addf %add3A_751, %add3A_752 : vector<256x128xf32>
    %lt3A_754 = arith.cmpf olt, %add3A_753, %select_n3A_698 : vector<256x128xf32>
    %select_n3A_755 = arith.select %lt3A_754, %add3A_753, %select_n3A_698 : vector<256x128xi1>, vector<256x128xf32>
    %jit3A_756 = arith.constant 23 : i32
    %broadcast_in_dim3A_757 = vector.broadcast %jit3A_756 : i32 to vector<256x128xi32>
    %select_n3A_758 = arith.select %lt3A_754, %broadcast_in_dim3A_757, %select_n3A_701 : vector<256x128xi1>, vector<256x128xi32>
    %iota3A_759 = tpu.iota {dimensions = array<i32: 1>} : vector<256x128xi32>
    %mul3A_760 = arith.constant 128 : i32
    %mul3A_761 = vector.broadcast %mul3A_760 : i32 to vector<256x128xi32>
    %mul3A_762 = arith.muli %select_n3A_719, %mul3A_761 : vector<256x128xi32>
    %add3A_763 = arith.addi %mul3A_762, %iota3A_759 : vector<256x128xi32>
    %mul3A_764 = arith.constant 128 : i32
    %mul3A_765 = vector.broadcast %mul3A_764 : i32 to vector<256x128xi32>
    %mul3A_766 = arith.muli %select_n3A_732, %mul3A_765 : vector<256x128xi32>
    %add3A_767 = arith.addi %mul3A_766, %iota3A_759 : vector<256x128xi32>
    %lt3A_768 = arith.cmpf olt, %select_n3A_729, %select_n3A_716 : vector<256x128xf32>
    %eq3A_769 = arith.cmpf oeq, %select_n3A_729, %select_n3A_716 : vector<256x128xf32>
    %lt3A_770 = arith.cmpi slt, %add3A_767, %add3A_763 : vector<256x128xi32>
    %and3A_771 = arith.andi %eq3A_769, %lt3A_770 : vector<256x128xi1>
    %or3A_772 = arith.ori %lt3A_768, %and3A_771 : vector<256x128xi1>
    %select_n3A_773 = arith.select %or3A_772, %select_n3A_729, %select_n3A_716 : vector<256x128xi1>, vector<256x128xf32>
    %select_n3A_774 = arith.select %or3A_772, %add3A_767, %add3A_763 : vector<256x128xi1>, vector<256x128xi32>
    %mul3A_775 = arith.constant 128 : i32
    %mul3A_776 = vector.broadcast %mul3A_775 : i32 to vector<256x128xi32>
    %mul3A_777 = arith.muli %select_n3A_745, %mul3A_776 : vector<256x128xi32>
    %add3A_778 = arith.addi %mul3A_777, %iota3A_759 : vector<256x128xi32>
    %lt3A_779 = arith.cmpf olt, %select_n3A_742, %select_n3A_773 : vector<256x128xf32>
    %eq3A_780 = arith.cmpf oeq, %select_n3A_742, %select_n3A_773 : vector<256x128xf32>
    %lt3A_781 = arith.cmpi slt, %add3A_778, %select_n3A_774 : vector<256x128xi32>
    %and3A_782 = arith.andi %eq3A_780, %lt3A_781 : vector<256x128xi1>
    %or3A_783 = arith.ori %lt3A_779, %and3A_782 : vector<256x128xi1>
    %select_n3A_784 = arith.select %or3A_783, %select_n3A_742, %select_n3A_773 : vector<256x128xi1>, vector<256x128xf32>
    %select_n3A_785 = arith.select %or3A_783, %add3A_778, %select_n3A_774 : vector<256x128xi1>, vector<256x128xi32>
    %mul3A_786 = arith.constant 128 : i32
    %mul3A_787 = vector.broadcast %mul3A_786 : i32 to vector<256x128xi32>
    %mul3A_788 = arith.muli %select_n3A_758, %mul3A_787 : vector<256x128xi32>
    %add3A_789 = arith.addi %mul3A_788, %iota3A_759 : vector<256x128xi32>
    %lt3A_790 = arith.cmpf olt, %select_n3A_755, %select_n3A_784 : vector<256x128xf32>
    %eq3A_791 = arith.cmpf oeq, %select_n3A_755, %select_n3A_784 : vector<256x128xf32>
    %lt3A_792 = arith.cmpi slt, %add3A_789, %select_n3A_785 : vector<256x128xi32>
    %and3A_793 = arith.andi %eq3A_791, %lt3A_792 : vector<256x128xi1>
    %or3A_794 = arith.ori %lt3A_790, %and3A_793 : vector<256x128xi1>
    %select_n3A_795 = arith.select %or3A_794, %select_n3A_755, %select_n3A_784 : vector<256x128xi1>, vector<256x128xf32>
    %select_n3A_796 = arith.select %or3A_794, %add3A_789, %select_n3A_785 : vector<256x128xi1>, vector<256x128xi32>
    %reduce_min3A_797 = arith.constant dense<0x7F800000> : vector<256xf32>
    %reduce_min3A_798 = vector.multi_reduction <minimumf>, %select_n3A_795, %reduce_min3A_797 [1] : vector<256x128xf32> to vector<256xf32>
    %broadcast_in_dim3A_799 = vector.shape_cast %reduce_min3A_798 : vector<256xf32> to vector<256x1xf32>
    %le3A_800 = vector.broadcast %broadcast_in_dim3A_799 : vector<256x1xf32> to vector<256x128xf32>
    %le3A_801 = arith.cmpf ole, %select_n3A_795, %le3A_800 : vector<256x128xf32>
    %jit3A_802 = arith.constant 9216 : i32
    %broadcast_in_dim3A_803 = vector.broadcast %jit3A_802 : i32 to vector<256x128xi32>
    %select_n3A_804 = arith.select %le3A_801, %select_n3A_796, %broadcast_in_dim3A_803 : vector<256x128xi1>, vector<256x128xi32>
    %reduce_min3A_805 = arith.constant dense<2147483647> : vector<256xi32>
    %reduce_min3A_806 = vector.multi_reduction <minsi>, %select_n3A_804, %reduce_min3A_805 [1] : vector<256x128xi32> to vector<256xi32>
    %broadcast_in_dim3A_807 = vector.shape_cast %reduce_min3A_806 : vector<256xi32> to vector<256x1xi32>
    %add3A_808 = arith.constant 2736 : i32
    %add3A_809 = vector.broadcast %add3A_808 : i32 to vector<256x1xi32>
    %add3A_810 = arith.addi %broadcast_in_dim3A_807, %add3A_809 : vector<256x1xi32>
    %convert_element_type3A_811 = arith.extf %convert_element_type3A : vector<256x1xbf16> to vector<256x1xf32>
    %lt3A_812 = arith.cmpf olt, %broadcast_in_dim3A_799, %convert_element_type3A_811 : vector<256x1xf32>
    %select_n3A_813 = arith.select %lt3A_812, %add3A_810, %add3A_400 : vector<256x1xi1>, vector<256x1xi32>
    %select_n3A_814 = arith.select %lt3A_812, %broadcast_in_dim3A_799, %convert_element_type3A_811 : vector<256x1xi1>, vector<256x1xf32>
    %convert_element_type3A_815 = arith.truncf %select_n3A_814 : vector<256x1xf32> to vector<256x1xbf16>
    %broadcast_in_dim3A_816 = arith.constant 0x7F800000 : f32
    %broadcast_in_dim3A_817 = vector.broadcast %broadcast_in_dim3A_816 : f32 to vector<256x128xf32>
    %broadcast_in_dim3A_818 = arith.constant 0x7F800000 : f32
    %broadcast_in_dim3A_819 = vector.broadcast %broadcast_in_dim3A_818 : f32 to vector<256x128xf32>
    %broadcast_in_dim3A_820 = arith.constant 0x7F800000 : f32
    %broadcast_in_dim3A_821 = vector.broadcast %broadcast_in_dim3A_820 : f32 to vector<256x128xf32>
    %broadcast_in_dim3A_822 = arith.constant 0x7F800000 : f32
    %broadcast_in_dim3A_823 = vector.broadcast %broadcast_in_dim3A_822 : f32 to vector<256x128xf32>
    %broadcast_in_dim3A_824 = arith.constant 0 : i32
    %broadcast_in_dim3A_825 = vector.broadcast %broadcast_in_dim3A_824 : i32 to vector<256x128xi32>
    %broadcast_in_dim3A_826 = arith.constant 0 : i32
    %broadcast_in_dim3A_827 = vector.broadcast %broadcast_in_dim3A_826 : i32 to vector<256x128xi32>
    %broadcast_in_dim3A_828 = arith.constant 0 : i32
    %broadcast_in_dim3A_829 = vector.broadcast %broadcast_in_dim3A_828 : i32 to vector<256x128xi32>
    %broadcast_in_dim3A_830 = arith.constant 0 : i32
    %broadcast_in_dim3A_831 = vector.broadcast %broadcast_in_dim3A_830 : i32 to vector<256x128xi32>
    %get3A_832 = arith.constant 6144 : index
    %get3A_833 = arith.constant 0 : index
    %get3A_834 = vector.load %arg3[%get3A_832, %get3A_833] : memref<9216x256xbf16, #tpu.memory_space<vmem>>, vector<512x256xbf16>
    %dot_general3A_835 = arith.constant dense<0.000000e+00> : vector<256x512xf32>
    %dot_general3A_836 = tpu.matmul %get3A_1, %get3A_834, %dot_general3A_835 {dimension_numbers = #tpu.dot_dimension_numbers<[1], [1], [0], [0], [0, 0, 1, 0], [], []>, transpose_lhs_hint = false} : vector<256x256xbf16>, vector<512x256xbf16>, vector<256x512xf32> -> vector<256x512xf32>
    %get3A_837 = arith.constant 0 : index
    %get3A_838 = arith.constant 6144 : index
    %get3A_839 = vector.load %arg4[%get3A_837, %get3A_838] : memref<1x9216xf32, #tpu.memory_space<vmem>>, vector<1x128xf32>
    %slice3A_840 = vector.extract_strided_slice %dot_general3A_836 {offsets = [0, 0], sizes = [256, 128], strides = [1, 1]} : vector<256x512xf32> to vector<256x128xf32>
    %add3A_841 = vector.broadcast %get3A_4 : vector<256x1xf32> to vector<256x128xf32>
    %add3A_842 = arith.addf %add3A_841, %slice3A_840 : vector<256x128xf32>
    %add3A_843 = vector.broadcast %get3A_839 : vector<1x128xf32> to vector<256x128xf32>
    %add3A_844 = arith.addf %add3A_842, %add3A_843 : vector<256x128xf32>
    %lt3A_845 = arith.cmpf olt, %add3A_844, %broadcast_in_dim3A_817 : vector<256x128xf32>
    %select_n3A_846 = arith.select %lt3A_845, %add3A_844, %broadcast_in_dim3A_817 : vector<256x128xi1>, vector<256x128xf32>
    %jit3A_847 = arith.constant 0 : i32
    %broadcast_in_dim3A_848 = vector.broadcast %jit3A_847 : i32 to vector<256x128xi32>
    %select_n3A_849 = arith.select %lt3A_845, %broadcast_in_dim3A_848, %broadcast_in_dim3A_825 : vector<256x128xi1>, vector<256x128xi32>
    %get3A_850 = arith.constant 0 : index
    %get3A_851 = arith.constant 6272 : index
    %get3A_852 = vector.load %arg4[%get3A_850, %get3A_851] : memref<1x9216xf32, #tpu.memory_space<vmem>>, vector<1x128xf32>
    %slice3A_853 = vector.extract_strided_slice %dot_general3A_836 {offsets = [0, 128], sizes = [256, 128], strides = [1, 1]} : vector<256x512xf32> to vector<256x128xf32>
    %add3A_854 = vector.broadcast %get3A_4 : vector<256x1xf32> to vector<256x128xf32>
    %add3A_855 = arith.addf %add3A_854, %slice3A_853 : vector<256x128xf32>
    %add3A_856 = vector.broadcast %get3A_852 : vector<1x128xf32> to vector<256x128xf32>
    %add3A_857 = arith.addf %add3A_855, %add3A_856 : vector<256x128xf32>
    %lt3A_858 = arith.cmpf olt, %add3A_857, %broadcast_in_dim3A_819 : vector<256x128xf32>
    %select_n3A_859 = arith.select %lt3A_858, %add3A_857, %broadcast_in_dim3A_819 : vector<256x128xi1>, vector<256x128xf32>
    %jit3A_860 = arith.constant 1 : i32
    %broadcast_in_dim3A_861 = vector.broadcast %jit3A_860 : i32 to vector<256x128xi32>
    %select_n3A_862 = arith.select %lt3A_858, %broadcast_in_dim3A_861, %broadcast_in_dim3A_827 : vector<256x128xi1>, vector<256x128xi32>
    %get3A_863 = arith.constant 0 : index
    %get3A_864 = arith.constant 6400 : index
    %get3A_865 = vector.load %arg4[%get3A_863, %get3A_864] : memref<1x9216xf32, #tpu.memory_space<vmem>>, vector<1x128xf32>
    %slice3A_866 = vector.extract_strided_slice %dot_general3A_836 {offsets = [0, 256], sizes = [256, 128], strides = [1, 1]} : vector<256x512xf32> to vector<256x128xf32>
    %add3A_867 = vector.broadcast %get3A_4 : vector<256x1xf32> to vector<256x128xf32>
    %add3A_868 = arith.addf %add3A_867, %slice3A_866 : vector<256x128xf32>
    %add3A_869 = vector.broadcast %get3A_865 : vector<1x128xf32> to vector<256x128xf32>
    %add3A_870 = arith.addf %add3A_868, %add3A_869 : vector<256x128xf32>
    %lt3A_871 = arith.cmpf olt, %add3A_870, %broadcast_in_dim3A_821 : vector<256x128xf32>
    %select_n3A_872 = arith.select %lt3A_871, %add3A_870, %broadcast_in_dim3A_821 : vector<256x128xi1>, vector<256x128xf32>
    %jit3A_873 = arith.constant 2 : i32
    %broadcast_in_dim3A_874 = vector.broadcast %jit3A_873 : i32 to vector<256x128xi32>
    %select_n3A_875 = arith.select %lt3A_871, %broadcast_in_dim3A_874, %broadcast_in_dim3A_829 : vector<256x128xi1>, vector<256x128xi32>
    %get3A_876 = arith.constant 0 : index
    %get3A_877 = arith.constant 6528 : index
    %get3A_878 = vector.load %arg4[%get3A_876, %get3A_877] : memref<1x9216xf32, #tpu.memory_space<vmem>>, vector<1x128xf32>
    %slice3A_879 = vector.extract_strided_slice %dot_general3A_836 {offsets = [0, 384], sizes = [256, 128], strides = [1, 1]} : vector<256x512xf32> to vector<256x128xf32>
    %add3A_880 = vector.broadcast %get3A_4 : vector<256x1xf32> to vector<256x128xf32>
    %add3A_881 = arith.addf %add3A_880, %slice3A_879 : vector<256x128xf32>
    %add3A_882 = vector.broadcast %get3A_878 : vector<1x128xf32> to vector<256x128xf32>
    %add3A_883 = arith.addf %add3A_881, %add3A_882 : vector<256x128xf32>
    %lt3A_884 = arith.cmpf olt, %add3A_883, %broadcast_in_dim3A_823 : vector<256x128xf32>
    %select_n3A_885 = arith.select %lt3A_884, %add3A_883, %broadcast_in_dim3A_823 : vector<256x128xi1>, vector<256x128xf32>
    %jit3A_886 = arith.constant 3 : i32
    %broadcast_in_dim3A_887 = vector.broadcast %jit3A_886 : i32 to vector<256x128xi32>
    %select_n3A_888 = arith.select %lt3A_884, %broadcast_in_dim3A_887, %broadcast_in_dim3A_831 : vector<256x128xi1>, vector<256x128xi32>
    %get3A_889 = arith.constant 6656 : index
    %get3A_890 = arith.constant 0 : index
    %get3A_891 = vector.load %arg3[%get3A_889, %get3A_890] : memref<9216x256xbf16, #tpu.memory_space<vmem>>, vector<512x256xbf16>
    %dot_general3A_892 = arith.constant dense<0.000000e+00> : vector<256x512xf32>
    %dot_general3A_893 = tpu.matmul %get3A_1, %get3A_891, %dot_general3A_892 {dimension_numbers = #tpu.dot_dimension_numbers<[1], [1], [0], [0], [0, 0, 1, 0], [], []>, transpose_lhs_hint = false} : vector<256x256xbf16>, vector<512x256xbf16>, vector<256x512xf32> -> vector<256x512xf32>
    %get3A_894 = arith.constant 0 : index
    %get3A_895 = arith.constant 6656 : index
    %get3A_896 = vector.load %arg4[%get3A_894, %get3A_895] : memref<1x9216xf32, #tpu.memory_space<vmem>>, vector<1x128xf32>
    %slice3A_897 = vector.extract_strided_slice %dot_general3A_893 {offsets = [0, 0], sizes = [256, 128], strides = [1, 1]} : vector<256x512xf32> to vector<256x128xf32>
    %add3A_898 = vector.broadcast %get3A_4 : vector<256x1xf32> to vector<256x128xf32>
    %add3A_899 = arith.addf %add3A_898, %slice3A_897 : vector<256x128xf32>
    %add3A_900 = vector.broadcast %get3A_896 : vector<1x128xf32> to vector<256x128xf32>
    %add3A_901 = arith.addf %add3A_899, %add3A_900 : vector<256x128xf32>
    %lt3A_902 = arith.cmpf olt, %add3A_901, %select_n3A_846 : vector<256x128xf32>
    %select_n3A_903 = arith.select %lt3A_902, %add3A_901, %select_n3A_846 : vector<256x128xi1>, vector<256x128xf32>
    %jit3A_904 = arith.constant 4 : i32
    %broadcast_in_dim3A_905 = vector.broadcast %jit3A_904 : i32 to vector<256x128xi32>
    %select_n3A_906 = arith.select %lt3A_902, %broadcast_in_dim3A_905, %select_n3A_849 : vector<256x128xi1>, vector<256x128xi32>
    %get3A_907 = arith.constant 0 : index
    %get3A_908 = arith.constant 6784 : index
    %get3A_909 = vector.load %arg4[%get3A_907, %get3A_908] : memref<1x9216xf32, #tpu.memory_space<vmem>>, vector<1x128xf32>
    %slice3A_910 = vector.extract_strided_slice %dot_general3A_893 {offsets = [0, 128], sizes = [256, 128], strides = [1, 1]} : vector<256x512xf32> to vector<256x128xf32>
    %add3A_911 = vector.broadcast %get3A_4 : vector<256x1xf32> to vector<256x128xf32>
    %add3A_912 = arith.addf %add3A_911, %slice3A_910 : vector<256x128xf32>
    %add3A_913 = vector.broadcast %get3A_909 : vector<1x128xf32> to vector<256x128xf32>
    %add3A_914 = arith.addf %add3A_912, %add3A_913 : vector<256x128xf32>
    %lt3A_915 = arith.cmpf olt, %add3A_914, %select_n3A_859 : vector<256x128xf32>
    %select_n3A_916 = arith.select %lt3A_915, %add3A_914, %select_n3A_859 : vector<256x128xi1>, vector<256x128xf32>
    %jit3A_917 = arith.constant 5 : i32
    %broadcast_in_dim3A_918 = vector.broadcast %jit3A_917 : i32 to vector<256x128xi32>
    %select_n3A_919 = arith.select %lt3A_915, %broadcast_in_dim3A_918, %select_n3A_862 : vector<256x128xi1>, vector<256x128xi32>
    %get3A_920 = arith.constant 0 : index
    %get3A_921 = arith.constant 6912 : index
    %get3A_922 = vector.load %arg4[%get3A_920, %get3A_921] : memref<1x9216xf32, #tpu.memory_space<vmem>>, vector<1x128xf32>
    %slice3A_923 = vector.extract_strided_slice %dot_general3A_893 {offsets = [0, 256], sizes = [256, 128], strides = [1, 1]} : vector<256x512xf32> to vector<256x128xf32>
    %add3A_924 = vector.broadcast %get3A_4 : vector<256x1xf32> to vector<256x128xf32>
    %add3A_925 = arith.addf %add3A_924, %slice3A_923 : vector<256x128xf32>
    %add3A_926 = vector.broadcast %get3A_922 : vector<1x128xf32> to vector<256x128xf32>
    %add3A_927 = arith.addf %add3A_925, %add3A_926 : vector<256x128xf32>
    %lt3A_928 = arith.cmpf olt, %add3A_927, %select_n3A_872 : vector<256x128xf32>
    %select_n3A_929 = arith.select %lt3A_928, %add3A_927, %select_n3A_872 : vector<256x128xi1>, vector<256x128xf32>
    %jit3A_930 = arith.constant 6 : i32
    %broadcast_in_dim3A_931 = vector.broadcast %jit3A_930 : i32 to vector<256x128xi32>
    %select_n3A_932 = arith.select %lt3A_928, %broadcast_in_dim3A_931, %select_n3A_875 : vector<256x128xi1>, vector<256x128xi32>
    %get3A_933 = arith.constant 0 : index
    %get3A_934 = arith.constant 7040 : index
    %get3A_935 = vector.load %arg4[%get3A_933, %get3A_934] : memref<1x9216xf32, #tpu.memory_space<vmem>>, vector<1x128xf32>
    %slice3A_936 = vector.extract_strided_slice %dot_general3A_893 {offsets = [0, 384], sizes = [256, 128], strides = [1, 1]} : vector<256x512xf32> to vector<256x128xf32>
    %add3A_937 = vector.broadcast %get3A_4 : vector<256x1xf32> to vector<256x128xf32>
    %add3A_938 = arith.addf %add3A_937, %slice3A_936 : vector<256x128xf32>
    %add3A_939 = vector.broadcast %get3A_935 : vector<1x128xf32> to vector<256x128xf32>
    %add3A_940 = arith.addf %add3A_938, %add3A_939 : vector<256x128xf32>
    %lt3A_941 = arith.cmpf olt, %add3A_940, %select_n3A_885 : vector<256x128xf32>
    %select_n3A_942 = arith.select %lt3A_941, %add3A_940, %select_n3A_885 : vector<256x128xi1>, vector<256x128xf32>
    %jit3A_943 = arith.constant 7 : i32
    %broadcast_in_dim3A_944 = vector.broadcast %jit3A_943 : i32 to vector<256x128xi32>
    %select_n3A_945 = arith.select %lt3A_941, %broadcast_in_dim3A_944, %select_n3A_888 : vector<256x128xi1>, vector<256x128xi32>
    %get3A_946 = arith.constant 7168 : index
    %get3A_947 = arith.constant 0 : index
    %get3A_948 = vector.load %arg3[%get3A_946, %get3A_947] : memref<9216x256xbf16, #tpu.memory_space<vmem>>, vector<512x256xbf16>
    %dot_general3A_949 = arith.constant dense<0.000000e+00> : vector<256x512xf32>
    %dot_general3A_950 = tpu.matmul %get3A_1, %get3A_948, %dot_general3A_949 {dimension_numbers = #tpu.dot_dimension_numbers<[1], [1], [0], [0], [0, 0, 1, 0], [], []>, transpose_lhs_hint = false} : vector<256x256xbf16>, vector<512x256xbf16>, vector<256x512xf32> -> vector<256x512xf32>
    %get3A_951 = arith.constant 0 : index
    %get3A_952 = arith.constant 7168 : index
    %get3A_953 = vector.load %arg4[%get3A_951, %get3A_952] : memref<1x9216xf32, #tpu.memory_space<vmem>>, vector<1x128xf32>
    %slice3A_954 = vector.extract_strided_slice %dot_general3A_950 {offsets = [0, 0], sizes = [256, 128], strides = [1, 1]} : vector<256x512xf32> to vector<256x128xf32>
    %add3A_955 = vector.broadcast %get3A_4 : vector<256x1xf32> to vector<256x128xf32>
    %add3A_956 = arith.addf %add3A_955, %slice3A_954 : vector<256x128xf32>
    %add3A_957 = vector.broadcast %get3A_953 : vector<1x128xf32> to vector<256x128xf32>
    %add3A_958 = arith.addf %add3A_956, %add3A_957 : vector<256x128xf32>
    %lt3A_959 = arith.cmpf olt, %add3A_958, %select_n3A_903 : vector<256x128xf32>
    %select_n3A_960 = arith.select %lt3A_959, %add3A_958, %select_n3A_903 : vector<256x128xi1>, vector<256x128xf32>
    %jit3A_961 = arith.constant 8 : i32
    %broadcast_in_dim3A_962 = vector.broadcast %jit3A_961 : i32 to vector<256x128xi32>
    %select_n3A_963 = arith.select %lt3A_959, %broadcast_in_dim3A_962, %select_n3A_906 : vector<256x128xi1>, vector<256x128xi32>
    %get3A_964 = arith.constant 0 : index
    %get3A_965 = arith.constant 7296 : index
    %get3A_966 = vector.load %arg4[%get3A_964, %get3A_965] : memref<1x9216xf32, #tpu.memory_space<vmem>>, vector<1x128xf32>
    %slice3A_967 = vector.extract_strided_slice %dot_general3A_950 {offsets = [0, 128], sizes = [256, 128], strides = [1, 1]} : vector<256x512xf32> to vector<256x128xf32>
    %add3A_968 = vector.broadcast %get3A_4 : vector<256x1xf32> to vector<256x128xf32>
    %add3A_969 = arith.addf %add3A_968, %slice3A_967 : vector<256x128xf32>
    %add3A_970 = vector.broadcast %get3A_966 : vector<1x128xf32> to vector<256x128xf32>
    %add3A_971 = arith.addf %add3A_969, %add3A_970 : vector<256x128xf32>
    %lt3A_972 = arith.cmpf olt, %add3A_971, %select_n3A_916 : vector<256x128xf32>
    %select_n3A_973 = arith.select %lt3A_972, %add3A_971, %select_n3A_916 : vector<256x128xi1>, vector<256x128xf32>
    %jit3A_974 = arith.constant 9 : i32
    %broadcast_in_dim3A_975 = vector.broadcast %jit3A_974 : i32 to vector<256x128xi32>
    %select_n3A_976 = arith.select %lt3A_972, %broadcast_in_dim3A_975, %select_n3A_919 : vector<256x128xi1>, vector<256x128xi32>
    %get3A_977 = arith.constant 0 : index
    %get3A_978 = arith.constant 7424 : index
    %get3A_979 = vector.load %arg4[%get3A_977, %get3A_978] : memref<1x9216xf32, #tpu.memory_space<vmem>>, vector<1x128xf32>
    %slice3A_980 = vector.extract_strided_slice %dot_general3A_950 {offsets = [0, 256], sizes = [256, 128], strides = [1, 1]} : vector<256x512xf32> to vector<256x128xf32>
    %add3A_981 = vector.broadcast %get3A_4 : vector<256x1xf32> to vector<256x128xf32>
    %add3A_982 = arith.addf %add3A_981, %slice3A_980 : vector<256x128xf32>
    %add3A_983 = vector.broadcast %get3A_979 : vector<1x128xf32> to vector<256x128xf32>
    %add3A_984 = arith.addf %add3A_982, %add3A_983 : vector<256x128xf32>
    %lt3A_985 = arith.cmpf olt, %add3A_984, %select_n3A_929 : vector<256x128xf32>
    %select_n3A_986 = arith.select %lt3A_985, %add3A_984, %select_n3A_929 : vector<256x128xi1>, vector<256x128xf32>
    %jit3A_987 = arith.constant 10 : i32
    %broadcast_in_dim3A_988 = vector.broadcast %jit3A_987 : i32 to vector<256x128xi32>
    %select_n3A_989 = arith.select %lt3A_985, %broadcast_in_dim3A_988, %select_n3A_932 : vector<256x128xi1>, vector<256x128xi32>
    %get3A_990 = arith.constant 0 : index
    %get3A_991 = arith.constant 7552 : index
    %get3A_992 = vector.load %arg4[%get3A_990, %get3A_991] : memref<1x9216xf32, #tpu.memory_space<vmem>>, vector<1x128xf32>
    %slice3A_993 = vector.extract_strided_slice %dot_general3A_950 {offsets = [0, 384], sizes = [256, 128], strides = [1, 1]} : vector<256x512xf32> to vector<256x128xf32>
    %add3A_994 = vector.broadcast %get3A_4 : vector<256x1xf32> to vector<256x128xf32>
    %add3A_995 = arith.addf %add3A_994, %slice3A_993 : vector<256x128xf32>
    %add3A_996 = vector.broadcast %get3A_992 : vector<1x128xf32> to vector<256x128xf32>
    %add3A_997 = arith.addf %add3A_995, %add3A_996 : vector<256x128xf32>
    %lt3A_998 = arith.cmpf olt, %add3A_997, %select_n3A_942 : vector<256x128xf32>
    %select_n3A_999 = arith.select %lt3A_998, %add3A_997, %select_n3A_942 : vector<256x128xi1>, vector<256x128xf32>
    %jit3A_1000 = arith.constant 11 : i32
    %broadcast_in_dim3A_1001 = vector.broadcast %jit3A_1000 : i32 to vector<256x128xi32>
    %select_n3A_1002 = arith.select %lt3A_998, %broadcast_in_dim3A_1001, %select_n3A_945 : vector<256x128xi1>, vector<256x128xi32>
    %get3A_1003 = arith.constant 7680 : index
    %get3A_1004 = arith.constant 0 : index
    %get3A_1005 = vector.load %arg3[%get3A_1003, %get3A_1004] : memref<9216x256xbf16, #tpu.memory_space<vmem>>, vector<512x256xbf16>
    %dot_general3A_1006 = arith.constant dense<0.000000e+00> : vector<256x512xf32>
    %dot_general3A_1007 = tpu.matmul %get3A_1, %get3A_1005, %dot_general3A_1006 {dimension_numbers = #tpu.dot_dimension_numbers<[1], [1], [0], [0], [0, 0, 1, 0], [], []>, transpose_lhs_hint = false} : vector<256x256xbf16>, vector<512x256xbf16>, vector<256x512xf32> -> vector<256x512xf32>
    %get3A_1008 = arith.constant 0 : index
    %get3A_1009 = arith.constant 7680 : index
    %get3A_1010 = vector.load %arg4[%get3A_1008, %get3A_1009] : memref<1x9216xf32, #tpu.memory_space<vmem>>, vector<1x128xf32>
    %slice3A_1011 = vector.extract_strided_slice %dot_general3A_1007 {offsets = [0, 0], sizes = [256, 128], strides = [1, 1]} : vector<256x512xf32> to vector<256x128xf32>
    %add3A_1012 = vector.broadcast %get3A_4 : vector<256x1xf32> to vector<256x128xf32>
    %add3A_1013 = arith.addf %add3A_1012, %slice3A_1011 : vector<256x128xf32>
    %add3A_1014 = vector.broadcast %get3A_1010 : vector<1x128xf32> to vector<256x128xf32>
    %add3A_1015 = arith.addf %add3A_1013, %add3A_1014 : vector<256x128xf32>
    %lt3A_1016 = arith.cmpf olt, %add3A_1015, %select_n3A_960 : vector<256x128xf32>
    %select_n3A_1017 = arith.select %lt3A_1016, %add3A_1015, %select_n3A_960 : vector<256x128xi1>, vector<256x128xf32>
    %jit3A_1018 = arith.constant 12 : i32
    %broadcast_in_dim3A_1019 = vector.broadcast %jit3A_1018 : i32 to vector<256x128xi32>
    %select_n3A_1020 = arith.select %lt3A_1016, %broadcast_in_dim3A_1019, %select_n3A_963 : vector<256x128xi1>, vector<256x128xi32>
    %get3A_1021 = arith.constant 0 : index
    %get3A_1022 = arith.constant 7808 : index
    %get3A_1023 = vector.load %arg4[%get3A_1021, %get3A_1022] : memref<1x9216xf32, #tpu.memory_space<vmem>>, vector<1x128xf32>
    %slice3A_1024 = vector.extract_strided_slice %dot_general3A_1007 {offsets = [0, 128], sizes = [256, 128], strides = [1, 1]} : vector<256x512xf32> to vector<256x128xf32>
    %add3A_1025 = vector.broadcast %get3A_4 : vector<256x1xf32> to vector<256x128xf32>
    %add3A_1026 = arith.addf %add3A_1025, %slice3A_1024 : vector<256x128xf32>
    %add3A_1027 = vector.broadcast %get3A_1023 : vector<1x128xf32> to vector<256x128xf32>
    %add3A_1028 = arith.addf %add3A_1026, %add3A_1027 : vector<256x128xf32>
    %lt3A_1029 = arith.cmpf olt, %add3A_1028, %select_n3A_973 : vector<256x128xf32>
    %select_n3A_1030 = arith.select %lt3A_1029, %add3A_1028, %select_n3A_973 : vector<256x128xi1>, vector<256x128xf32>
    %jit3A_1031 = arith.constant 13 : i32
    %broadcast_in_dim3A_1032 = vector.broadcast %jit3A_1031 : i32 to vector<256x128xi32>
    %select_n3A_1033 = arith.select %lt3A_1029, %broadcast_in_dim3A_1032, %select_n3A_976 : vector<256x128xi1>, vector<256x128xi32>
    %get3A_1034 = arith.constant 0 : index
    %get3A_1035 = arith.constant 7936 : index
    %get3A_1036 = vector.load %arg4[%get3A_1034, %get3A_1035] : memref<1x9216xf32, #tpu.memory_space<vmem>>, vector<1x128xf32>
    %slice3A_1037 = vector.extract_strided_slice %dot_general3A_1007 {offsets = [0, 256], sizes = [256, 128], strides = [1, 1]} : vector<256x512xf32> to vector<256x128xf32>
    %add3A_1038 = vector.broadcast %get3A_4 : vector<256x1xf32> to vector<256x128xf32>
    %add3A_1039 = arith.addf %add3A_1038, %slice3A_1037 : vector<256x128xf32>
    %add3A_1040 = vector.broadcast %get3A_1036 : vector<1x128xf32> to vector<256x128xf32>
    %add3A_1041 = arith.addf %add3A_1039, %add3A_1040 : vector<256x128xf32>
    %lt3A_1042 = arith.cmpf olt, %add3A_1041, %select_n3A_986 : vector<256x128xf32>
    %select_n3A_1043 = arith.select %lt3A_1042, %add3A_1041, %select_n3A_986 : vector<256x128xi1>, vector<256x128xf32>
    %jit3A_1044 = arith.constant 14 : i32
    %broadcast_in_dim3A_1045 = vector.broadcast %jit3A_1044 : i32 to vector<256x128xi32>
    %select_n3A_1046 = arith.select %lt3A_1042, %broadcast_in_dim3A_1045, %select_n3A_989 : vector<256x128xi1>, vector<256x128xi32>
    %get3A_1047 = arith.constant 0 : index
    %get3A_1048 = arith.constant 8064 : index
    %get3A_1049 = vector.load %arg4[%get3A_1047, %get3A_1048] : memref<1x9216xf32, #tpu.memory_space<vmem>>, vector<1x128xf32>
    %slice3A_1050 = vector.extract_strided_slice %dot_general3A_1007 {offsets = [0, 384], sizes = [256, 128], strides = [1, 1]} : vector<256x512xf32> to vector<256x128xf32>
    %add3A_1051 = vector.broadcast %get3A_4 : vector<256x1xf32> to vector<256x128xf32>
    %add3A_1052 = arith.addf %add3A_1051, %slice3A_1050 : vector<256x128xf32>
    %add3A_1053 = vector.broadcast %get3A_1049 : vector<1x128xf32> to vector<256x128xf32>
    %add3A_1054 = arith.addf %add3A_1052, %add3A_1053 : vector<256x128xf32>
    %lt3A_1055 = arith.cmpf olt, %add3A_1054, %select_n3A_999 : vector<256x128xf32>
    %select_n3A_1056 = arith.select %lt3A_1055, %add3A_1054, %select_n3A_999 : vector<256x128xi1>, vector<256x128xf32>
    %jit3A_1057 = arith.constant 15 : i32
    %broadcast_in_dim3A_1058 = vector.broadcast %jit3A_1057 : i32 to vector<256x128xi32>
    %select_n3A_1059 = arith.select %lt3A_1055, %broadcast_in_dim3A_1058, %select_n3A_1002 : vector<256x128xi1>, vector<256x128xi32>
    %get3A_1060 = arith.constant 8192 : index
    %get3A_1061 = arith.constant 0 : index
    %get3A_1062 = vector.load %arg3[%get3A_1060, %get3A_1061] : memref<9216x256xbf16, #tpu.memory_space<vmem>>, vector<512x256xbf16>
    %dot_general3A_1063 = arith.constant dense<0.000000e+00> : vector<256x512xf32>
    %dot_general3A_1064 = tpu.matmul %get3A_1, %get3A_1062, %dot_general3A_1063 {dimension_numbers = #tpu.dot_dimension_numbers<[1], [1], [0], [0], [0, 0, 1, 0], [], []>, transpose_lhs_hint = false} : vector<256x256xbf16>, vector<512x256xbf16>, vector<256x512xf32> -> vector<256x512xf32>
    %get3A_1065 = arith.constant 0 : index
    %get3A_1066 = arith.constant 8192 : index
    %get3A_1067 = vector.load %arg4[%get3A_1065, %get3A_1066] : memref<1x9216xf32, #tpu.memory_space<vmem>>, vector<1x128xf32>
    %slice3A_1068 = vector.extract_strided_slice %dot_general3A_1064 {offsets = [0, 0], sizes = [256, 128], strides = [1, 1]} : vector<256x512xf32> to vector<256x128xf32>
    %add3A_1069 = vector.broadcast %get3A_4 : vector<256x1xf32> to vector<256x128xf32>
    %add3A_1070 = arith.addf %add3A_1069, %slice3A_1068 : vector<256x128xf32>
    %add3A_1071 = vector.broadcast %get3A_1067 : vector<1x128xf32> to vector<256x128xf32>
    %add3A_1072 = arith.addf %add3A_1070, %add3A_1071 : vector<256x128xf32>
    %lt3A_1073 = arith.cmpf olt, %add3A_1072, %select_n3A_1017 : vector<256x128xf32>
    %select_n3A_1074 = arith.select %lt3A_1073, %add3A_1072, %select_n3A_1017 : vector<256x128xi1>, vector<256x128xf32>
    %jit3A_1075 = arith.constant 16 : i32
    %broadcast_in_dim3A_1076 = vector.broadcast %jit3A_1075 : i32 to vector<256x128xi32>
    %select_n3A_1077 = arith.select %lt3A_1073, %broadcast_in_dim3A_1076, %select_n3A_1020 : vector<256x128xi1>, vector<256x128xi32>
    %get3A_1078 = arith.constant 0 : index
    %get3A_1079 = arith.constant 8320 : index
    %get3A_1080 = vector.load %arg4[%get3A_1078, %get3A_1079] : memref<1x9216xf32, #tpu.memory_space<vmem>>, vector<1x128xf32>
    %slice3A_1081 = vector.extract_strided_slice %dot_general3A_1064 {offsets = [0, 128], sizes = [256, 128], strides = [1, 1]} : vector<256x512xf32> to vector<256x128xf32>
    %add3A_1082 = vector.broadcast %get3A_4 : vector<256x1xf32> to vector<256x128xf32>
    %add3A_1083 = arith.addf %add3A_1082, %slice3A_1081 : vector<256x128xf32>
    %add3A_1084 = vector.broadcast %get3A_1080 : vector<1x128xf32> to vector<256x128xf32>
    %add3A_1085 = arith.addf %add3A_1083, %add3A_1084 : vector<256x128xf32>
    %lt3A_1086 = arith.cmpf olt, %add3A_1085, %select_n3A_1030 : vector<256x128xf32>
    %select_n3A_1087 = arith.select %lt3A_1086, %add3A_1085, %select_n3A_1030 : vector<256x128xi1>, vector<256x128xf32>
    %jit3A_1088 = arith.constant 17 : i32
    %broadcast_in_dim3A_1089 = vector.broadcast %jit3A_1088 : i32 to vector<256x128xi32>
    %select_n3A_1090 = arith.select %lt3A_1086, %broadcast_in_dim3A_1089, %select_n3A_1033 : vector<256x128xi1>, vector<256x128xi32>
    %get3A_1091 = arith.constant 0 : index
    %get3A_1092 = arith.constant 8448 : index
    %get3A_1093 = vector.load %arg4[%get3A_1091, %get3A_1092] : memref<1x9216xf32, #tpu.memory_space<vmem>>, vector<1x128xf32>
    %slice3A_1094 = vector.extract_strided_slice %dot_general3A_1064 {offsets = [0, 256], sizes = [256, 128], strides = [1, 1]} : vector<256x512xf32> to vector<256x128xf32>
    %add3A_1095 = vector.broadcast %get3A_4 : vector<256x1xf32> to vector<256x128xf32>
    %add3A_1096 = arith.addf %add3A_1095, %slice3A_1094 : vector<256x128xf32>
    %add3A_1097 = vector.broadcast %get3A_1093 : vector<1x128xf32> to vector<256x128xf32>
    %add3A_1098 = arith.addf %add3A_1096, %add3A_1097 : vector<256x128xf32>
    %lt3A_1099 = arith.cmpf olt, %add3A_1098, %select_n3A_1043 : vector<256x128xf32>
    %select_n3A_1100 = arith.select %lt3A_1099, %add3A_1098, %select_n3A_1043 : vector<256x128xi1>, vector<256x128xf32>
    %jit3A_1101 = arith.constant 18 : i32
    %broadcast_in_dim3A_1102 = vector.broadcast %jit3A_1101 : i32 to vector<256x128xi32>
    %select_n3A_1103 = arith.select %lt3A_1099, %broadcast_in_dim3A_1102, %select_n3A_1046 : vector<256x128xi1>, vector<256x128xi32>
    %get3A_1104 = arith.constant 0 : index
    %get3A_1105 = arith.constant 8576 : index
    %get3A_1106 = vector.load %arg4[%get3A_1104, %get3A_1105] : memref<1x9216xf32, #tpu.memory_space<vmem>>, vector<1x128xf32>
    %slice3A_1107 = vector.extract_strided_slice %dot_general3A_1064 {offsets = [0, 384], sizes = [256, 128], strides = [1, 1]} : vector<256x512xf32> to vector<256x128xf32>
    %add3A_1108 = vector.broadcast %get3A_4 : vector<256x1xf32> to vector<256x128xf32>
    %add3A_1109 = arith.addf %add3A_1108, %slice3A_1107 : vector<256x128xf32>
    %add3A_1110 = vector.broadcast %get3A_1106 : vector<1x128xf32> to vector<256x128xf32>
    %add3A_1111 = arith.addf %add3A_1109, %add3A_1110 : vector<256x128xf32>
    %lt3A_1112 = arith.cmpf olt, %add3A_1111, %select_n3A_1056 : vector<256x128xf32>
    %select_n3A_1113 = arith.select %lt3A_1112, %add3A_1111, %select_n3A_1056 : vector<256x128xi1>, vector<256x128xf32>
    %jit3A_1114 = arith.constant 19 : i32
    %broadcast_in_dim3A_1115 = vector.broadcast %jit3A_1114 : i32 to vector<256x128xi32>
    %select_n3A_1116 = arith.select %lt3A_1112, %broadcast_in_dim3A_1115, %select_n3A_1059 : vector<256x128xi1>, vector<256x128xi32>
    %get3A_1117 = arith.constant 8704 : index
    %get3A_1118 = arith.constant 0 : index
    %get3A_1119 = vector.load %arg3[%get3A_1117, %get3A_1118] : memref<9216x256xbf16, #tpu.memory_space<vmem>>, vector<512x256xbf16>
    %dot_general3A_1120 = arith.constant dense<0.000000e+00> : vector<256x512xf32>
    %dot_general3A_1121 = tpu.matmul %get3A_1, %get3A_1119, %dot_general3A_1120 {dimension_numbers = #tpu.dot_dimension_numbers<[1], [1], [0], [0], [0, 0, 1, 0], [], []>, transpose_lhs_hint = false} : vector<256x256xbf16>, vector<512x256xbf16>, vector<256x512xf32> -> vector<256x512xf32>
    %get3A_1122 = arith.constant 0 : index
    %get3A_1123 = arith.constant 8704 : index
    %get3A_1124 = vector.load %arg4[%get3A_1122, %get3A_1123] : memref<1x9216xf32, #tpu.memory_space<vmem>>, vector<1x128xf32>
    %slice3A_1125 = vector.extract_strided_slice %dot_general3A_1121 {offsets = [0, 0], sizes = [256, 128], strides = [1, 1]} : vector<256x512xf32> to vector<256x128xf32>
    %add3A_1126 = vector.broadcast %get3A_4 : vector<256x1xf32> to vector<256x128xf32>
    %add3A_1127 = arith.addf %add3A_1126, %slice3A_1125 : vector<256x128xf32>
    %add3A_1128 = vector.broadcast %get3A_1124 : vector<1x128xf32> to vector<256x128xf32>
    %add3A_1129 = arith.addf %add3A_1127, %add3A_1128 : vector<256x128xf32>
    %lt3A_1130 = arith.cmpf olt, %add3A_1129, %select_n3A_1074 : vector<256x128xf32>
    %select_n3A_1131 = arith.select %lt3A_1130, %add3A_1129, %select_n3A_1074 : vector<256x128xi1>, vector<256x128xf32>
    %jit3A_1132 = arith.constant 20 : i32
    %broadcast_in_dim3A_1133 = vector.broadcast %jit3A_1132 : i32 to vector<256x128xi32>
    %select_n3A_1134 = arith.select %lt3A_1130, %broadcast_in_dim3A_1133, %select_n3A_1077 : vector<256x128xi1>, vector<256x128xi32>
    %get3A_1135 = arith.constant 0 : index
    %get3A_1136 = arith.constant 8832 : index
    %get3A_1137 = vector.load %arg4[%get3A_1135, %get3A_1136] : memref<1x9216xf32, #tpu.memory_space<vmem>>, vector<1x128xf32>
    %slice3A_1138 = vector.extract_strided_slice %dot_general3A_1121 {offsets = [0, 128], sizes = [256, 128], strides = [1, 1]} : vector<256x512xf32> to vector<256x128xf32>
    %add3A_1139 = vector.broadcast %get3A_4 : vector<256x1xf32> to vector<256x128xf32>
    %add3A_1140 = arith.addf %add3A_1139, %slice3A_1138 : vector<256x128xf32>
    %add3A_1141 = vector.broadcast %get3A_1137 : vector<1x128xf32> to vector<256x128xf32>
    %add3A_1142 = arith.addf %add3A_1140, %add3A_1141 : vector<256x128xf32>
    %lt3A_1143 = arith.cmpf olt, %add3A_1142, %select_n3A_1087 : vector<256x128xf32>
    %select_n3A_1144 = arith.select %lt3A_1143, %add3A_1142, %select_n3A_1087 : vector<256x128xi1>, vector<256x128xf32>
    %jit3A_1145 = arith.constant 21 : i32
    %broadcast_in_dim3A_1146 = vector.broadcast %jit3A_1145 : i32 to vector<256x128xi32>
    %select_n3A_1147 = arith.select %lt3A_1143, %broadcast_in_dim3A_1146, %select_n3A_1090 : vector<256x128xi1>, vector<256x128xi32>
    %get3A_1148 = arith.constant 0 : index
    %get3A_1149 = arith.constant 8960 : index
    %get3A_1150 = vector.load %arg4[%get3A_1148, %get3A_1149] : memref<1x9216xf32, #tpu.memory_space<vmem>>, vector<1x128xf32>
    %slice3A_1151 = vector.extract_strided_slice %dot_general3A_1121 {offsets = [0, 256], sizes = [256, 128], strides = [1, 1]} : vector<256x512xf32> to vector<256x128xf32>
    %add3A_1152 = vector.broadcast %get3A_4 : vector<256x1xf32> to vector<256x128xf32>
    %add3A_1153 = arith.addf %add3A_1152, %slice3A_1151 : vector<256x128xf32>
    %add3A_1154 = vector.broadcast %get3A_1150 : vector<1x128xf32> to vector<256x128xf32>
    %add3A_1155 = arith.addf %add3A_1153, %add3A_1154 : vector<256x128xf32>
    %lt3A_1156 = arith.cmpf olt, %add3A_1155, %select_n3A_1100 : vector<256x128xf32>
    %select_n3A_1157 = arith.select %lt3A_1156, %add3A_1155, %select_n3A_1100 : vector<256x128xi1>, vector<256x128xf32>
    %jit3A_1158 = arith.constant 22 : i32
    %broadcast_in_dim3A_1159 = vector.broadcast %jit3A_1158 : i32 to vector<256x128xi32>
    %select_n3A_1160 = arith.select %lt3A_1156, %broadcast_in_dim3A_1159, %select_n3A_1103 : vector<256x128xi1>, vector<256x128xi32>
    %get3A_1161 = arith.constant 0 : index
    %get3A_1162 = arith.constant 9088 : index
    %get3A_1163 = vector.load %arg4[%get3A_1161, %get3A_1162] : memref<1x9216xf32, #tpu.memory_space<vmem>>, vector<1x128xf32>
    %slice3A_1164 = vector.extract_strided_slice %dot_general3A_1121 {offsets = [0, 384], sizes = [256, 128], strides = [1, 1]} : vector<256x512xf32> to vector<256x128xf32>
    %add3A_1165 = vector.broadcast %get3A_4 : vector<256x1xf32> to vector<256x128xf32>
    %add3A_1166 = arith.addf %add3A_1165, %slice3A_1164 : vector<256x128xf32>
    %add3A_1167 = vector.broadcast %get3A_1163 : vector<1x128xf32> to vector<256x128xf32>
    %add3A_1168 = arith.addf %add3A_1166, %add3A_1167 : vector<256x128xf32>
    %lt3A_1169 = arith.cmpf olt, %add3A_1168, %select_n3A_1113 : vector<256x128xf32>
    %select_n3A_1170 = arith.select %lt3A_1169, %add3A_1168, %select_n3A_1113 : vector<256x128xi1>, vector<256x128xf32>
    %jit3A_1171 = arith.constant 23 : i32
    %broadcast_in_dim3A_1172 = vector.broadcast %jit3A_1171 : i32 to vector<256x128xi32>
    %select_n3A_1173 = arith.select %lt3A_1169, %broadcast_in_dim3A_1172, %select_n3A_1116 : vector<256x128xi1>, vector<256x128xi32>
    %iota3A_1174 = tpu.iota {dimensions = array<i32: 1>} : vector<256x128xi32>
    %mul3A_1175 = arith.constant 128 : i32
    %mul3A_1176 = vector.broadcast %mul3A_1175 : i32 to vector<256x128xi32>
    %mul3A_1177 = arith.muli %select_n3A_1134, %mul3A_1176 : vector<256x128xi32>
    %add3A_1178 = arith.addi %mul3A_1177, %iota3A_1174 : vector<256x128xi32>
    %mul3A_1179 = arith.constant 128 : i32
    %mul3A_1180 = vector.broadcast %mul3A_1179 : i32 to vector<256x128xi32>
    %mul3A_1181 = arith.muli %select_n3A_1147, %mul3A_1180 : vector<256x128xi32>
    %add3A_1182 = arith.addi %mul3A_1181, %iota3A_1174 : vector<256x128xi32>
    %lt3A_1183 = arith.cmpf olt, %select_n3A_1144, %select_n3A_1131 : vector<256x128xf32>
    %eq3A_1184 = arith.cmpf oeq, %select_n3A_1144, %select_n3A_1131 : vector<256x128xf32>
    %lt3A_1185 = arith.cmpi slt, %add3A_1182, %add3A_1178 : vector<256x128xi32>
    %and3A_1186 = arith.andi %eq3A_1184, %lt3A_1185 : vector<256x128xi1>
    %or3A_1187 = arith.ori %lt3A_1183, %and3A_1186 : vector<256x128xi1>
    %select_n3A_1188 = arith.select %or3A_1187, %select_n3A_1144, %select_n3A_1131 : vector<256x128xi1>, vector<256x128xf32>
    %select_n3A_1189 = arith.select %or3A_1187, %add3A_1182, %add3A_1178 : vector<256x128xi1>, vector<256x128xi32>
    %mul3A_1190 = arith.constant 128 : i32
    %mul3A_1191 = vector.broadcast %mul3A_1190 : i32 to vector<256x128xi32>
    %mul3A_1192 = arith.muli %select_n3A_1160, %mul3A_1191 : vector<256x128xi32>
    %add3A_1193 = arith.addi %mul3A_1192, %iota3A_1174 : vector<256x128xi32>
    %lt3A_1194 = arith.cmpf olt, %select_n3A_1157, %select_n3A_1188 : vector<256x128xf32>
    %eq3A_1195 = arith.cmpf oeq, %select_n3A_1157, %select_n3A_1188 : vector<256x128xf32>
    %lt3A_1196 = arith.cmpi slt, %add3A_1193, %select_n3A_1189 : vector<256x128xi32>
    %and3A_1197 = arith.andi %eq3A_1195, %lt3A_1196 : vector<256x128xi1>
    %or3A_1198 = arith.ori %lt3A_1194, %and3A_1197 : vector<256x128xi1>
    %select_n3A_1199 = arith.select %or3A_1198, %select_n3A_1157, %select_n3A_1188 : vector<256x128xi1>, vector<256x128xf32>
    %select_n3A_1200 = arith.select %or3A_1198, %add3A_1193, %select_n3A_1189 : vector<256x128xi1>, vector<256x128xi32>
    %mul3A_1201 = arith.constant 128 : i32
    %mul3A_1202 = vector.broadcast %mul3A_1201 : i32 to vector<256x128xi32>
    %mul3A_1203 = arith.muli %select_n3A_1173, %mul3A_1202 : vector<256x128xi32>
    %add3A_1204 = arith.addi %mul3A_1203, %iota3A_1174 : vector<256x128xi32>
    %lt3A_1205 = arith.cmpf olt, %select_n3A_1170, %select_n3A_1199 : vector<256x128xf32>
    %eq3A_1206 = arith.cmpf oeq, %select_n3A_1170, %select_n3A_1199 : vector<256x128xf32>
    %lt3A_1207 = arith.cmpi slt, %add3A_1204, %select_n3A_1200 : vector<256x128xi32>
    %and3A_1208 = arith.andi %eq3A_1206, %lt3A_1207 : vector<256x128xi1>
    %or3A_1209 = arith.ori %lt3A_1205, %and3A_1208 : vector<256x128xi1>
    %select_n3A_1210 = arith.select %or3A_1209, %select_n3A_1170, %select_n3A_1199 : vector<256x128xi1>, vector<256x128xf32>
    %select_n3A_1211 = arith.select %or3A_1209, %add3A_1204, %select_n3A_1200 : vector<256x128xi1>, vector<256x128xi32>
    %reduce_min3A_1212 = arith.constant dense<0x7F800000> : vector<256xf32>
    %reduce_min3A_1213 = vector.multi_reduction <minimumf>, %select_n3A_1210, %reduce_min3A_1212 [1] : vector<256x128xf32> to vector<256xf32>
    %broadcast_in_dim3A_1214 = vector.shape_cast %reduce_min3A_1213 : vector<256xf32> to vector<256x1xf32>
    %le3A_1215 = vector.broadcast %broadcast_in_dim3A_1214 : vector<256x1xf32> to vector<256x128xf32>
    %le3A_1216 = arith.cmpf ole, %select_n3A_1210, %le3A_1215 : vector<256x128xf32>
    %jit3A_1217 = arith.constant 9216 : i32
    %broadcast_in_dim3A_1218 = vector.broadcast %jit3A_1217 : i32 to vector<256x128xi32>
    %select_n3A_1219 = arith.select %le3A_1216, %select_n3A_1211, %broadcast_in_dim3A_1218 : vector<256x128xi1>, vector<256x128xi32>
    %reduce_min3A_1220 = arith.constant dense<2147483647> : vector<256xi32>
    %reduce_min3A_1221 = vector.multi_reduction <minsi>, %select_n3A_1219, %reduce_min3A_1220 [1] : vector<256x128xi32> to vector<256xi32>
    %broadcast_in_dim3A_1222 = vector.shape_cast %reduce_min3A_1221 : vector<256xi32> to vector<256x1xi32>
    %add3A_1223 = arith.constant 5472 : i32
    %add3A_1224 = vector.broadcast %add3A_1223 : i32 to vector<256x1xi32>
    %add3A_1225 = arith.addi %broadcast_in_dim3A_1222, %add3A_1224 : vector<256x1xi32>
    %convert_element_type3A_1226 = arith.extf %convert_element_type3A_815 : vector<256x1xbf16> to vector<256x1xf32>
    %lt3A_1227 = arith.cmpf olt, %broadcast_in_dim3A_1214, %convert_element_type3A_1226 : vector<256x1xf32>
    %select_n3A_1228 = arith.select %lt3A_1227, %add3A_1225, %select_n3A_813 : vector<256x1xi1>, vector<256x1xi32>
    %swap3A = arith.constant 0 : index
    %swap3A_1229 = arith.constant 0 : index
    %swap3A_1230 = vector.load %arg5[%swap3A, %swap3A_1229] : memref<256x1xi32, #tpu.memory_space<vmem>>, vector<256x1xi32>
    tpu.vector_store %arg5[%swap3A, %swap3A_1229], %select_n3A_1228 {strides = array<i32>} : memref<256x1xi32, #tpu.memory_space<vmem>>, vector<256x1xi32>,
    return
  }
  func.func @transform_0(%arg0: i32) -> (i32, i32) {
    %c0_i32 = arith.constant 0 : i32
    %c0_i32_0 = arith.constant 0 : i32
    return %arg0, %c0_i32 : i32, i32
  }
  func.func @transform_1(%arg0: i32) -> (i32, i32) {
    %c0_i32 = arith.constant 0 : i32
    %c0_i32_0 = arith.constant 0 : i32
    return %arg0, %c0_i32 : i32, i32
  }
  func.func @transform_2(%arg0: i32) -> (i32, i32) {
    %c0_i32 = arith.constant 0 : i32
    %c0_i32_0 = arith.constant 0 : i32
    %c0_i32_1 = arith.constant 0 : i32
    return %c0_i32, %c0_i32_0 : i32, i32
  }
  func.func @transform_3(%arg0: i32) -> (i32, i32) {
    %c0_i32 = arith.constant 0 : i32
    %c0_i32_0 = arith.constant 0 : i32
    %c0_i32_1 = arith.constant 0 : i32
    return %c0_i32, %c0_i32_0 : i32, i32
  }
  func.func @transform_4(%arg0: i32) -> (i32, i32) {
    %c0_i32 = arith.constant 0 : i32
    %c0_i32_0 = arith.constant 0 : i32
    return %arg0, %c0_i32 : i32, i32
  }
}

</mosaic_0001>

<sc_bundles>
// kernel: kernel.4.cloned.1.call-start
scs
__scs_entry_jumppad:
0x0: {  	(pc) =	sbr.rel $0x88, $3  }
0x1: {  	(tag) =	ssettag $0x0;
	lr =	simm.s32 $0x1  }
0x2: {  	[smem:$0x3F9F] =	sst lr;
	_ =	strace $0xD0000000  }
0x3: {  	_ = 	snop  }
0x4: {  	_ = 	snop  }
0x5: {  	_ = 	snop  }
0x6: {  	_ = 	snop  }
0x7: {  	_ = 	snop  }
__scs_overlays_trampoline_lowered:
0x8: {  	[smem:$0x3FAE] =	sst s0  }
0x9: {  	[smem:$0x3FAF] =	sst s1  }
0xa: {  	[smem:$0x3FB0] =	sst s2  }
0xb: {  	[smem:$0x3FB1] =	sst s3  }
0xc: {  	[smem:$0x3FB2] =	sst s4  }
0xd: {  	[smem:$0x3FB3] =	sst s5  }
0xe: {  	[smem:$0x3FB4] =	sst s6  }
0xf: {  	[smem:$0x3FB5] =	sst s7  }
0x10: {  	[smem:$0x3FB6] =	sst s8  }
0x11: {  	[smem:$0x3FB7] =	sst s9;
	s0 =	simm.s32 @!p0 $0x0  }
0x12: {  	s1 =	sld [smem:$0x3F9D];
	s0 =	simm.s32 @p0 $0x1  }
0x13: {  	[smem:$0x3FB8] =	sst s0;
	s0 =	simm.s32 @!p1 $0x0  }
0x14: {  	s2 =	sld [smem:$0x3F9C];
	s0 =	simm.s32 @p1 $0x1  }
0x15: {  	[smem:$0x3FB9] =	sst s0;
	s0 =	simm.s32 @!p2 $0x0  }
0x16: {  	s3 =	sld [smem:$0x3FDB];
	s0 =	simm.s32 @p2 $0x1  }
0x17: {  	s4 =	simm.s32 $0x1BF5;
	[smem:$0x3FBB] =	sst s0  }
0x18: {  	s0 =	sld [smem:$0x3F9E];
	_ =	swait.ge [sflag:s4], $0x0  }
0x19: {  	s7 =	sld [smem:$0x3F9F]  }
0x1a: {  	s8 =	sadd.s32 $0xFFFFE003, lr  }
0x1b: {  	s9 =	sadd.s32 $0xFFFFFEF7, lr;
	s5 =	simm.s32 $0xFFFFFFFF;
	p2 =	slt.u32 s8, $0xFFFFF086  }
0x1c: {  	p1 =	slt.u32 s9, $0xF7A;
	s5 =	simm.s32 @!p2 $0x0  }
0x1d: {  	s5 =	simm.s32 @p1 $0x1;
	p0 =	seq.s32 s7, s2  }
0x1e: {  	s7 =	smul.u32 @!p0 $0xF7A, s2;
	p2 =	seq.s32 @!p0 s5, $0x0  }
0x1f: {  	s9 =	smul.u32 $0xF7A, s1;
	s8 =	simm.s32 @!p0 $0x1BF5;
	p2 =	por !p2, p0  }
0x20: {  	[sflag:s8] =	ssyncset.s32 @!p0 $0xFFFFF086;
	s6 =	sadd.s32 @!p0 s3, s7;
	s7 =	simm.s32 @!p0 $0x108  }
0x21: {  	s3 =	sadd.s32 s3, s9;
	s6 =	sadd.s32 @!p0 $0x88, s6;
	s7 =	simm.s32 @p2 $0x1082  }
0x22: {  	[simem:s7], [sflag:s8] =	dma.local @!p0 [hbm:s6], $0xF7A  }
0x23: {  	s9 =	sor.u32 $0xD0000000, s2;
	s6 =	simm.s32 $0x108;
	_ =	swait.ge @!p0 [sflag:s8], $0x0  }
0x24: {  	s3 =	sadd.s32 $0x88, s3;
	s6 =	simm.s32 @!p1 $0x1082;
	[sflag:s4] =	ssyncset.s32 $0xFFFFF086  }
0x25: {  	[simem:s6], [sflag:s4] =	dma.local [hbm:s3], $0xF7A  }
0x26: {  	[smem:$0x3F9F] =	sst s1;
	(tag) =	ssettag s2;
	_ =	strace s9  }
0x27: {  	s1 =	sld [smem:$0x3FAF]  }
0x28: {  	s2 =	sld [smem:$0x3FB0]  }
0x29: {  	s4 =	sld [smem:$0x3FB2]  }
0x2a: {  	p0 =	seq.s32 s5, $0x0;
	s5 =	sld [smem:$0x3FB3]  }
0x2b: {  	s6 =	sld [smem:$0x3FB4]  }
0x2c: {  	s7 =	sld [smem:$0x3FB5]  }
0x2d: {  	s3 =	simm.s32 $0x108;
	s8 =	sld [smem:$0x3FB6]  }
0x2e: {  	s3 =	simm.s32 @!p0 $0x1082;
	s9 =	sld [smem:$0x3FB7]  }
0x2f: {  	lr =	sadd.s32 s0, s3;
	s0 =	sld [smem:$0x3FAE]  }
0x30: {  	s3 =	sld [smem:$0x3FB1]  }
0x31: {  	[smem:$0x3FBA] =	sst s10  }
0x32: {  	s10 =	sld [smem:$0x3FB8];
	_ =	sdelay $0x3  }
0x33: {  	p0 =	seq.s32 s10, $0x1;
	s10 =	sld [smem:$0x3FBA];
	_ =	sdelay $0x3  }
0x34: {  	[smem:$0x3FBA] =	sst s10  }
0x35: {  	s10 =	sld [smem:$0x3FB9];
	_ =	sdelay $0x3  }
0x36: {  	p1 =	seq.s32 s10, $0x1;
	s10 =	sld [smem:$0x3FBA];
	_ =	sdelay $0x3  }
0x37: {  	[smem:$0x3FBA] =	sst s10  }
0x38: {  	s10 =	sld [smem:$0x3FBB]  }
0x39: {  	_ = 	snop;
	(pc) =	sbr.ind lr, $3  }
0x3a: {  	_ = 	snop  }
0x3b: {  	_ = 	snop  }
0x3c: {  	p2 =	seq.s32 s10, $0x1;
	s10 =	sld [smem:$0x3FBA]  }
0x3d: {  	_ =	shalt  }
0x3e: {  	_ =	shalt  }
0x3f: {  	_ =	shalt  }
0x40: {  	_ =	shalt  }
0x41: {  	_ =	shalt  }
0x42: {  	_ =	shalt  }
0x43: {  	_ =	shalt  }
0x44: {  	_ =	shalt  }
0x45: {  	_ =	shalt  }
0x46: {  	_ =	shalt  }
0x47: {  	_ =	shalt  }
0x48: {  	_ =	shalt  }
0x49: {  	_ =	shalt  }
0x4a: {  	_ =	shalt  }
0x4b: {  	_ =	shalt  }
0x4c: {  	_ =	shalt  }
0x4d: {  	_ =	shalt  }
0x4e: {  	_ =	shalt  }
0x4f: {  	_ =	shalt  }
0x50: {  	_ =	shalt  }
0x51: {  	_ =	shalt  }
0x52: {  	_ =	shalt  }
0x53: {  	_ =	shalt  }
0x54: {  	_ =	shalt  }
0x55: {  	_ =	shalt  }
0x56: {  	_ =	shalt  }
0x57: {  	_ =	shalt  }
0x58: {  	_ =	shalt  }
0x59: {  	_ =	shalt  }
0x5a: {  	_ =	shalt  }
0x5b: {  	_ =	shalt  }
0x5c: {  	_ =	shalt  }
0x5d: {  	_ =	shalt  }
0x5e: {  	_ =	shalt  }
0x5f: {  	_ =	shalt  }
0x60: {  	_ =	shalt  }
0x61: {  	_ =	shalt  }
0x62: {  	_ =	shalt  }
0x63: {  	_ =	shalt  }
0x64: {  	_ =	shalt  }
0x65: {  	_ =	shalt  }
0x66: {  	_ =	shalt  }
0x67: {  	_ =	shalt  }
0x68: {  	_ =	shalt  }
0x69: {  	_ =	shalt  }
0x6a: {  	_ =	shalt  }
0x6b: {  	_ =	shalt  }
0x6c: {  	_ =	shalt  }
0x6d: {  	_ =	shalt  }
0x6e: {  	_ =	shalt  }
0x6f: {  	_ =	shalt  }
0x70: {  	_ =	shalt  }
0x71: {  	_ =	shalt  }
0x72: {  	_ =	shalt  }
0x73: {  	_ =	shalt  }
0x74: {  	_ =	shalt  }
0x75: {  	_ =	shalt  }
0x76: {  	_ =	shalt  }
0x77: {  	_ =	shalt  }
0x78: {  	_ =	shalt  }
0x79: {  	_ =	shalt  }
0x7a: {  	_ =	shalt  }
0x7b: {  	_ =	shalt  }
0x7c: {  	_ =	shalt  }
0x7d: {  	_ =	shalt  }
0x7e: {  	_ =	shalt  }
0x7f: {  	_ =	shalt  }
0x80: {  	_ =	shalt  }
0x81: {  	_ =	shalt  }
0x82: {  	_ =	shalt  }
0x83: {  	_ =	shalt  }
0x84: {  	_ =	shalt  }
0x85: {  	_ =	shalt  }
0x86: {  	_ =	shalt  }
0x87: {  	_ =	shalt  }
.Lfunc_end0:
.L_simem_size_0:
called_computation_lowered:
.L_overlay_start_0:
0x88: {  	s2 =	sld [smem:$0x3FD9]  }
0x89: {  	s3 =	sld [smem:$0x3FFE];
	_ =	sdelay $0x1  }
0x8a: {  	s1 =	srdreg.scid  }
0x8b: {  	s0 =	sand.u32 $0x1, s1  }
0x8c: {  	s15 =	sshll.u32 s0, $0xA;
	s2 =	sadd.s32 s3, s2  }
0x8d: {  	s2 =	sadd.s32 s2, s15  }
0x8e: {  	[smem:$0x3FC6] =	sst s2  }
0x8f: {  	_ = 	snop  }
0x90: {  	s2 =	sld [smem:$0x3FD0];
	_ =	sdelay $0x2  }
0x91: {  	s4 =	simm.s32 $0xA;
	s5 =	simm.s32 $0x10;
	s16 =	sld [smem:$0x3FC8]  }
0x92: {  	[smem:s5], [sflag:s4] =	dma.local [hbm:s2], $0x1  }
0x93: {  	_ =	swait.eq [sflag:s4], $0x1  }
0x94: {  	[sflag:s4] =	ssyncset.done $0x0  }
0x95: {  	s17 =	sld [smem:$0x10];
	[sflag:s4] =	ssyncadd.s32 $0xFFFFFFFF  }
0x96: {  	s18 =	sld [smem:$0x11];
	(tm) =	ssettm $0x1  }
0x97: {  	s19 =	sld [smem:$0x3FFB];
	_ =	sdelay $0x3  }
0x98: {  	_ =	strace s19  }
0x99: {  	s5 =	sld [smem:$0x3FFC];
	_ =	sdelay $0x3  }
0x9a: {  	_ =	strace s5  }
0x9b: {  	s5 =	sld [smem:$0x3FFD];
	_ =	sdelay $0x3  }
0x9c: {  	_ =	strace s5  }
0x9d: {  	_ =	strace $0x8FFFFFFF  }
0x9e: {  	s20 =	sld [smem:$0x3FDB];
	_ =	sdelay $0x1  }
0x9f: {  	s6 =	simm.s32 $_scs_section_size  }
0xa0: {  	s7 =	simm.s32 $_size__tile_overlayer_lowered;
	s8 =	simm.s32 $_tile_overlayer_lowered  }
0xa1: {  	s23 =	simm.s32 $0x1BFF;
	s22 =	sshll.u32 s8, $0x1;
	s5 =	sadd.s32 s6, s20  }
0xa2: {  	s9 =	simm.s32 $0x0;
	s21 =	sshll.u32 s7, $0x1;
	s7 =	sadd.s32 s22, s5  }
0xa3: {  	[timem:s9], [sflag:s23] =	dma.local [hbm:s7], s21  }
0xa4: {  	_ =	swait.ge [sflag:s23], s21  }
0xa5: {  	s6 =	ssub.s32 $0x0, s21;
	[sflag:s23] =	ssyncset.done $0x0  }
0xa6: {  	[sflag:s23] =	ssyncadd.s32 s6;
	_ =	sdelay $0x1  }
0xa7: {  	s24 =	simm.s32 $0x1B8B  }
0xa8: {  	_ =	swait.ge [sflag:s24], $0x1  }
0xa9: {  	[sflag:s24] =	ssyncset.done $0x0  }
0xaa: {  	s25 =	simm.s32 $0x1B8E;
	[sflag:s24] =	ssyncadd.s32 $0xFFFFFFFF  }
0xab: {  	s26 =	simm.s32 $execute0_lowered;
	[smem:$0x3FD2] =	sst s25  }
0xac: {  	s6 =	sshll.u32 s26, $0x1;
	_ =	strace $0x80000046;
	[dreg:$0x1] =	wrdreg $0xFFFFFFFF  }
0xad: {  	s28 =	simm.s32 $_size_execute0_lowered;
	s5 =	sadd.s32 s5, s6;
	[dreg:$0x0] =	wrdreg $0x0  }
0xae: {  	s6 =	sshll.u32 s28, $0x1;
	[dreg:$0x2] =	wrdreg s5  }
0xaf: {  	[dreg:$0x3] =	wrdreg s6  }
0xb0: {  	[dreg:$0x4] =	wrdreg $0xC0  }
0xb1: {  	_ =	task [dreg:s9], $0x5FFFF  }
0xb2: {  	[dreg:$0x1] =	wrdreg $0xFFFFFFFF  }
0xb3: {  	[dreg:$0x0] =	wrdreg $0x60  }
0xb4: {  	[dreg:$0x2] =	wrdreg s16  }
0xb5: {  	[dreg:$0x3] =	wrdreg s17  }
0xb6: {  	[dreg:$0x4] =	wrdreg s18  }
0xb7: {  	[dreg:$0x5] =	wrdreg $0x9  }
0xb8: {  	_ =	task.clear_ibuf [dreg:s9], $0x6FFFF;
	_ =	strace $0x90000046  }
0xb9: {  	s29 =	simm.s32 $0x9;
	_ =	strace $0x80000048  }
0xba: {  	_ =	swait.ge [sflag:s29], $0x1  }
0xbb: {  	[sflag:s29] =	ssyncadd.s32 $0xFFFFFFFF  }
0xbc: {  	_ =	strace $0x90000048  }
0xbd: {  	_ =	sfence  }
0xbe: {  	s30 =	sld [smem:$0x0];
	_ =	sdelay $0x2  }
0xbf: {  	s31 =	sshll.u32 s1, $0xD;
	s1 =	sshrl.u32 s1, $0x2  }
0xc0: {  	s3 =	sand.u32 $0x4000, s31;
	s1 =	sadd.s32 s1, s30  }
0xc1: {  	s0 =	sor.u32 s3, s0;
	s1 =	sshll.u32 s1, $0x11  }
0xc2: {  	s0 =	sor.u32 s1, s0  }
0xc3: {  	s0 =	sadd.s32 $0x8F2B, s0  }
0xc4: {  	[sflag:s0] =	ssyncadd.remote.s32 $0x1  }
0xc5: {  	_ =	sfence.sel $0xFFFF  }
0xc6: {  	[dreg:$0x0] =	wrdreg $0xFFFFFFFF;
	(pc) =	sbr.abs _section_cstart, $3  }
0xc7: {  	[dreg:$0x1] =	wrdreg $0xFFFFFFFF  }
0xc8: {  	_ =	task.clear_ibuf [dreg:s9], $0x2FFFF;
	_ =	strace $0x9FFFFFFF  }
0xc9: {  	(tm) =	ssettm $0x7FFFFFFF  }
tec
execute0_lowered:
.L_overlay_start_1:
0x0: {  	(tag) =	ssettag $0x1  }
0x1: {  	s1 =	rddreg [dreg:$0x0]  }
0x2: {  	s6 =	rddreg [dreg:$0x1]  }
0x3: {  	s5 =	rddreg [dreg:$0x2]  }
0x4: {  	s3 =	srdreg.scid;
	s0 =	rddreg [dreg:$0x3];
	s2 =	simm.s32 $0x0  }
0x5: {  	s11 =	simm.s32 $0x1880;
	s12 =	simm.s32 $0x2080;
	s13 =	simm.s32 $0x2880  }
0x6: {  	s14 =	simm.s32 $0x3080;
	s15 =	simm.s32 $0x3880;
	s16 =	simm.s32 $0x4080  }
0x7: {  	s17 =	simm.s32 $0x4880;
	s18 =	simm.s32 $0x5080;
	s19 =	simm.s32 $0x5880  }
0x8: {  	s20 =	simm.s32 $0x6080;
	s21 =	simm.s32 $0x6880;
	s22 =	simm.s32 $0x7080  }
0x9: {  	s23 =	simm.s32 $0x7880;
	s24 =	simm.s32 $0x1;
	s25 =	simm.s32 $0x0  }
0xa: {  	s7 =	sand.u32 $0x1, s3;
	[smem:$0x7FF] =	sst s2;
	s3 =	stileid.u32  }
0xb: {  	s4 =	ssub.s32 $0x2, s7;
	_ =	strace $0x80000047;
	s31 =	sshll.u32 s3, $0xC  }
0xc: {  	s9 =	sshll.u32 s7, $0xB;
	s10 =	sshll.u32 s3, $0x11;
	s7 =	sshll.u32 s7, $0x10  }
0xd: {  	s8 =	sshrl.u32 s4, $0x1;
	s5 =	sadd.s32 s10, s5;
	s10 =	simm.s32 $0x1080  }
0xe: {  	v2 =	vlaneseq.u32;
	s4 =	ssub.s32 s4, s8;
	s8 =	sor.u32 s9, s31;
	s5 =	sadd.s32 s7, s5  }
0xf: {  	vm0 =	vmmov $0xffff;
	v1 =	vshrl.u32 v2, $0x3;
	s7 =	simm.s32 $0x2;
	s9 =	simm.s32 $0x880;
	s8 =	sshrl.u32 s8, $0x3  }
0x10: {  	v0 =	vand.u32 $0x7, v2;
	v2 =	vor.u32 $0x8, v2;
	v1 =	vmul.u32 $0x8, v1;
	s4 =	smax.u32 s4, $0x1;
	s6 =	sadd.s32 s8, s6;
	s8 =	simm.s32 $0x80  }
.LBB2_1:
0x11: {  	s26 =	smov.u32 s5;
	s28 =	simm.s32 $0x0  }
.LBB2_2:
0x12: {  	s29 =	sadd.s32 s28, s6  }
0x13: {  	[tilespmem:s2], [sflag:$0x2] =	stream.linear.gather [hbm4b:s29+s2], $0x80, $0x38;
	[tilespmem:$0x8080] =	vst v63  }
0x14: {  	_ =	swait.ge [sflag:s7], $0x80  }
0x15: {  	[sflag:s7] =	ssyncset.done $0x0  }
0x16: {  	[sflag:s7] =	ssyncadd.s32 $0xFFFFFF80  }
0x17: {  	v3 =	vld [tilespmem:$0x0];
	_ =	sdelay $0x4  }
0x18: {  	v4 =	vshll.u32 v3, $0x1  }
0x19: {  	v3 =	vand.u32 $0x7, v3;
	v4 =	vand.u32 $0xFFFFFFF0, v4  }
0x1a: {  	v3 =	vor.u32 v3, v4  }
0x1b: {  	v4 =	vperm.xlane v3, v0;
	_ =	sdelay $0x1  }
0x1c: {  	v3 =	vperm.xlane v3, v2;
	v4 =	vadd.s32 v1, v4;
	_ =	sdelay $0x1  }
0x1d: {  	v3 =	vadd.s32 v1, v3;
	_ =	sdelay $0x2  }
0x1e: {  	[tilespmem:s8], [sflag:$0x1] =	stream.indirect_vreg.gather [hbm4b:s1+s2], $0x80, v4, vm0, $0xb8;
	[tilespmem:$0x8080] =	vst v63  }
0x1f: {  	_ = 	snop  }
0x20: {  	[tilespmem:s9], [sflag:$0x1] =	stream.indirect_vreg.gather [hbm4b:s1+s2], $0x80, v3, vm0, $0xb8;
	[tilespmem:$0x8080] =	vst v63  }
0x21: {  	v3 =	vld [tilespmem:$0x10];
	_ =	sdelay $0x4  }
0x22: {  	v57 =	vshll.u32 v3, $0x1  }
0x23: {  	v3 =	vand.u32 $0x7, v3;
	v4 =	vand.u32 $0xFFFFFFF0, v57  }
0x24: {  	v3 =	vor.u32 v3, v4  }
0x25: {  	v4 =	vperm.xlane v3, v0;
	_ =	sdelay $0x1  }
0x26: {  	v3 =	vperm.xlane v3, v2;
	v4 =	vadd.s32 v1, v4;
	_ =	sdelay $0x1  }
0x27: {  	v3 =	vadd.s32 v1, v3;
	_ =	sdelay $0x2  }
0x28: {  	[tilespmem:s10], [sflag:$0x1] =	stream.indirect_vreg.gather [hbm4b:s1+s2], $0x80, v4, vm0, $0xb8;
	[tilespmem:$0x8080] =	vst v63  }
0x29: {  	_ = 	snop  }
0x2a: {  	[tilespmem:s11], [sflag:$0x1] =	stream.indirect_vreg.gather [hbm4b:s1+s2], $0x80, v3, vm0, $0xb8;
	[tilespmem:$0x8080] =	vst v63  }
0x2b: {  	v3 =	vld [tilespmem:$0x20];
	_ =	sdelay $0x4  }
0x2c: {  	v58 =	vshll.u32 v3, $0x1  }
0x2d: {  	v3 =	vand.u32 $0x7, v3;
	v4 =	vand.u32 $0xFFFFFFF0, v58  }
0x2e: {  	v3 =	vor.u32 v3, v4  }
0x2f: {  	v4 =	vperm.xlane v3, v0;
	_ =	sdelay $0x1  }
0x30: {  	v3 =	vperm.xlane v3, v2;
	v4 =	vadd.s32 v1, v4;
	_ =	sdelay $0x1  }
0x31: {  	v3 =	vadd.s32 v1, v3;
	_ =	sdelay $0x2  }
0x32: {  	[tilespmem:s12], [sflag:$0x1] =	stream.indirect_vreg.gather [hbm4b:s1+s2], $0x80, v4, vm0, $0xb8;
	[tilespmem:$0x8080] =	vst v63  }
0x33: {  	_ = 	snop  }
0x34: {  	[tilespmem:s13], [sflag:$0x1] =	stream.indirect_vreg.gather [hbm4b:s1+s2], $0x80, v3, vm0, $0xb8;
	[tilespmem:$0x8080] =	vst v63  }
0x35: {  	v3 =	vld [tilespmem:$0x30];
	_ =	sdelay $0x4  }
0x36: {  	v59 =	vshll.u32 v3, $0x1  }
0x37: {  	v3 =	vand.u32 $0x7, v3;
	v4 =	vand.u32 $0xFFFFFFF0, v59  }
0x38: {  	v3 =	vor.u32 v3, v4  }
0x39: {  	v4 =	vperm.xlane v3, v0;
	_ =	sdelay $0x1  }
0x3a: {  	v3 =	vperm.xlane v3, v2;
	v4 =	vadd.s32 v1, v4;
	_ =	sdelay $0x1  }
0x3b: {  	v3 =	vadd.s32 v1, v3;
	_ =	sdelay $0x2  }
0x3c: {  	[tilespmem:s14], [sflag:$0x1] =	stream.indirect_vreg.gather [hbm4b:s1+s2], $0x80, v4, vm0, $0xb8;
	[tilespmem:$0x8080] =	vst v63  }
0x3d: {  	_ = 	snop  }
0x3e: {  	[tilespmem:s15], [sflag:$0x1] =	stream.indirect_vreg.gather [hbm4b:s1+s2], $0x80, v3, vm0, $0xb8;
	[tilespmem:$0x8080] =	vst v63  }
0x3f: {  	v3 =	vld [tilespmem:$0x40];
	_ =	sdelay $0x4  }
0x40: {  	v60 =	vshll.u32 v3, $0x1  }
0x41: {  	v3 =	vand.u32 $0x7, v3;
	v4 =	vand.u32 $0xFFFFFFF0, v60  }
0x42: {  	v3 =	vor.u32 v3, v4  }
0x43: {  	v4 =	vperm.xlane v3, v0;
	_ =	sdelay $0x1  }
0x44: {  	v3 =	vperm.xlane v3, v2;
	v4 =	vadd.s32 v1, v4;
	_ =	sdelay $0x1  }
0x45: {  	v3 =	vadd.s32 v1, v3;
	_ =	sdelay $0x2  }
0x46: {  	[tilespmem:s16], [sflag:$0x1] =	stream.indirect_vreg.gather [hbm4b:s1+s2], $0x80, v4, vm0, $0xb8;
	[tilespmem:$0x8080] =	vst v63  }
0x47: {  	_ = 	snop  }
0x48: {  	[tilespmem:s17], [sflag:$0x1] =	stream.indirect_vreg.gather [hbm4b:s1+s2], $0x80, v3, vm0, $0xb8;
	[tilespmem:$0x8080] =	vst v63  }
0x49: {  	v3 =	vld [tilespmem:$0x50];
	_ =	sdelay $0x4  }
0x4a: {  	v61 =	vshll.u32 v3, $0x1  }
0x4b: {  	v3 =	vand.u32 $0x7, v3;
	v4 =	vand.u32 $0xFFFFFFF0, v61  }
0x4c: {  	v3 =	vor.u32 v3, v4  }
0x4d: {  	v4 =	vperm.xlane v3, v0;
	_ =	sdelay $0x1  }
0x4e: {  	v3 =	vperm.xlane v3, v2;
	v4 =	vadd.s32 v1, v4;
	_ =	sdelay $0x1  }
0x4f: {  	v3 =	vadd.s32 v1, v3;
	_ =	sdelay $0x2  }
0x50: {  	[tilespmem:s18], [sflag:$0x1] =	stream.indirect_vreg.gather [hbm4b:s1+s2], $0x80, v4, vm0, $0xb8;
	[tilespmem:$0x8080] =	vst v63  }
0x51: {  	_ = 	snop  }
0x52: {  	[tilespmem:s19], [sflag:$0x1] =	stream.indirect_vreg.gather [hbm4b:s1+s2], $0x80, v3, vm0, $0xb8;
	[tilespmem:$0x8080] =	vst v63  }
0x53: {  	v3 =	vld [tilespmem:$0x60];
	_ =	sdelay $0x4  }
0x54: {  	v62 =	vshll.u32 v3, $0x1  }
0x55: {  	v3 =	vand.u32 $0x7, v3;
	v4 =	vand.u32 $0xFFFFFFF0, v62  }
0x56: {  	v3 =	vor.u32 v3, v4  }
0x57: {  	v4 =	vperm.xlane v3, v0;
	_ =	sdelay $0x1  }
0x58: {  	v3 =	vperm.xlane v3, v2;
	v4 =	vadd.s32 v1, v4;
	_ =	sdelay $0x1  }
0x59: {  	v3 =	vadd.s32 v1, v3;
	_ =	sdelay $0x2  }
0x5a: {  	[tilespmem:s20], [sflag:$0x1] =	stream.indirect_vreg.gather [hbm4b:s1+s2], $0x80, v4, vm0, $0xb8;
	[tilespmem:$0x8080] =	vst v63  }
0x5b: {  	_ = 	snop  }
0x5c: {  	[tilespmem:s21], [sflag:$0x1] =	stream.indirect_vreg.gather [hbm4b:s1+s2], $0x80, v3, vm0, $0xb8;
	[tilespmem:$0x8080] =	vst v63  }
0x5d: {  	v3 =	vld [tilespmem:$0x70];
	_ =	sdelay $0x4  }
0x5e: {  	v63 =	vshll.u32 v3, $0x1  }
0x5f: {  	v3 =	vand.u32 $0x7, v3;
	v4 =	vand.u32 $0xFFFFFFF0, v63  }
0x60: {  	v3 =	vor.u32 v3, v4  }
0x61: {  	v4 =	vperm.xlane v3, v0;
	_ =	sdelay $0x1  }
0x62: {  	v3 =	vperm.xlane v3, v2;
	v4 =	vadd.s32 v1, v4;
	_ =	sdelay $0x1  }
0x63: {  	v3 =	vadd.s32 v1, v3;
	_ =	sdelay $0x2  }
0x64: {  	[tilespmem:s22], [sflag:$0x1] =	stream.indirect_vreg.gather [hbm4b:s1+s2], $0x80, v4, vm0, $0xb8;
	[tilespmem:$0x8080] =	vst v63  }
0x65: {  	_ = 	snop  }
0x66: {  	[tilespmem:s23], [sflag:$0x1] =	stream.indirect_vreg.gather [hbm4b:s1+s2], $0x80, v3, vm0, $0xb8;
	[tilespmem:$0x8080] =	vst v63  }
0x67: {  	_ =	swait.ge [sflag:s24], $0x8000  }
0x68: {  	p0 =	sne.s32 s28, $0xF0;
	[sflag:s24] =	ssyncset.done $0x0  }
.Ltmp0:
0x69: {  	[sflag:s24] =	ssyncadd.s32 $0xFFFF8000;
	(pc) =	sbr.rel @p0 .LBB2_2-.Ltmp0, $4  }
0x6a: {  	[hbm4b:s26+s2] =	stream.linear.scatter [tilespmem:s8], [sflag:$0x2], $0x8000, $0x38;
	[tilespmem:$0x8080] =	vst v63  }
0x6b: {  	_ =	swait.ge [sflag:s7], $0x8000  }
0x6c: {  	[sflag:s7] =	ssyncset.done $0x0  }
0x6d: {  	s28 =	sadd.s32 $0x10, s28;
	s26 =	sadd.s32 $0x1000, s26;
	[sflag:s7] =	ssyncadd.s32 $0xFFFF8000  }
0x6e: {  	s25 =	sadd.s32 $0x1, s25  }
0x6f: {  	p0 =	sne.s32 s25, s4  }
.Ltmp1:
0x70: {  	_ = 	snop;
	(pc) =	sbr.rel @p0 .LBB2_1-.Ltmp1, $1  }
0x71: {  	_ =	sdelay $0x3  }
0x72: {  	_ =	sfence.sel $0x180000  }
0x73: {  	[bflag:$0x0] =	sbarrier.arrive $0xFFFF  }
0x74: {  	p0 =	sne.s32 s3, $0x0;
	_ =	strace $0x90000047  }
0x75: {  	s0 =	sadd.s32 @!p0 $0x100000, s0;
	[bflag:$0x2] =	sbarrier.arrive $0xFFFF  }
0x76: {  	[sflag:s0] =	ssyncadd.tile.s32 @!p0 $0x1;
	_ =	shalt  }
.Lfunc_end2:
_tile_overlayer_lowered:
.L_overlay_start_2:
0x77: {  	(tag) =	ssettag $0x2  }
0x78: {  	s0 =	rddreg [dreg:$0x0];
	s2 =	stileid.u32  }
0x79: {  	s1 =	rddreg [dreg:$0x1];
	p0 =	sne.s32 s2, $0x0  }
0x7a: {  	s3 =	rddreg [dreg:$0x2];
	[bflag:$0x3] =	sbarrier.arrive $0xFFFF;
	s2 =	simm.s32 @!p0 $0x1C02  }
0x7b: {  	[timem:s3], [sflag:s2] =	dma.local @!p0 [hbm:s0], s1  }
0x7c: {  	s0 =	simm.s32 @!p0 $0x2  }
0x7d: {  	_ =	swait.ge @!p0 [sflag:s0], s1  }
0x7e: {  	s1 =	ssub.s32 @!p0 $0x0, s1;
	[sflag:s0] =	ssyncset.done @!p0 $0x0  }
0x7f: {  	[sflag:s0] =	ssyncadd.s32 @!p0 s1  }
0x80: {  	[bflag:$0x3] =	sbarrier.arrive $0xFFFF  }
0x81: {  	_ =	shalt  }

</sc_bundles>
